<compile_context>
chip_gen: v7x
topology: tpu7x:2x2x1
jax: 0.10.2.dev20260603
libtpu: 0.0.44.dev20260713+nightly
codegen_flags: <defaults>
</compile_context>

<pallas_src>
import functools

import numpy as np
import jax
import jax.numpy as jnp
from jax import lax
from jax.experimental import pallas as pl
from jax.experimental.pallas import tpu as pltpu
from jax.experimental.pallas import tpu_sc as plsc

NUM_RBF = 16
TOP_K = 30
MAX_REL = 32
NF = 128
EF = 128

SC_CORES = 2
SC_SUBCORES = 16
SC_WORKERS = SC_CORES * SC_SUBCORES
GATHER_CHUNK = 128

_TL_TOPK = 256
_TL_EDGE = 128



def _topk_body(xrow_ref, xcolt_ref, dnb_ref, eidx_ref, egidx_ref, dclip_ref):
    b = pl.program_id(0)
    i0 = pl.program_id(1) * _TL_TOPK
    xr = xrow_ref[0]
    xc = xcolt_ref[0]
    tl = xr.shape[0]
    lc = xc.shape[1]
    d2 = None
    for c in range(3):
        diff = xr[:, c:c + 1] - xc[c:c + 1, :]
        sq = diff * diff
        d2 = sq if d2 is None else d2 + sq
    dist = jnp.sqrt(d2 + 1e-6)
    lane = lax.broadcasted_iota(jnp.int32, (tl, lc), 1)
    work = dist
    dcols = []
    icols = []
    for _ in range(TOP_K):
        m = jnp.min(work, axis=1, keepdims=True)
        hit = work == m
        idx = jnp.min(jnp.where(hit, lane, lc), axis=1, keepdims=True)
        dcols.append(m)
        icols.append(idx)
        work = jnp.where(lane == idx, jnp.float32(jnp.inf), work)
    ei = jnp.concatenate(icols, axis=1)
    dnb_ref[0] = jnp.concatenate(dcols, axis=1)
    eidx_ref[0] = ei
    egidx_ref[0] = ei + b * lc
    irow = lax.broadcasted_iota(jnp.int32, (tl, 1), 0) + i0
    dclip_ref[0] = jnp.clip(irow - ei + MAX_REL, 0, 2 * MAX_REL)


def _dist_topk(ca, cat):
    b, l, _ = ca.shape
    tl = _TL_TOPK
    grid = (b, l // tl)
    out_shapes = (
        jax.ShapeDtypeStruct((b, l, TOP_K), jnp.float32),
        jax.ShapeDtypeStruct((b, l, TOP_K), jnp.int32),
        jax.ShapeDtypeStruct((b, l, TOP_K), jnp.int32),
        jax.ShapeDtypeStruct((b, l, TOP_K), jnp.int32),
    )
    out_spec = pl.BlockSpec((1, tl, TOP_K), lambda bb, ii: (bb, ii, 0))
    return pl.pallas_call(
        _topk_body,
        grid=grid,
        in_specs=[
            pl.BlockSpec((1, tl, 3), lambda bb, ii: (bb, ii, 0)),
            pl.BlockSpec((1, 3, l), lambda bb, ii: (bb, 0, 0)),
        ],
        out_specs=(out_spec, out_spec, out_spec, out_spec),
        out_shape=out_shapes,
    )(ca, cat)



def _norm_rows(v, eps=1e-12):
    n = jnp.sqrt(jnp.sum(v * v, axis=1, keepdims=True))
    return v / jnp.maximum(n, eps)


def _cross_rows(u, v):
    ux, uy, uz = u[:, 0:1], u[:, 1:2], u[:, 2:3]
    vx, vy, vz = v[:, 0:1], v[:, 1:2], v[:, 2:3]
    return jnp.concatenate(
        [uy * vz - uz * vy, uz * vx - ux * vz, ux * vy - uy * vx], axis=1)


def _shift_down(v, fill=0.0):
    pad = jnp.full((1, v.shape[1]), fill, v.dtype)
    return jnp.concatenate([pad, v[:-1, :]], axis=0)


def _shift_up(v, fill=0.0):
    pad = jnp.full((1, v.shape[1]), fill, v.dtype)
    return jnp.concatenate([v[1:, :], pad], axis=0)


def _angle_feats(u2, u1, u0, eps=1e-7):
    n2 = _norm_rows(_cross_rows(u2, u1))
    n1 = _norm_rows(_cross_rows(u1, u0))
    cosd = jnp.clip(jnp.sum(n2 * n1, axis=1, keepdims=True),
                    -1.0 + eps, 1.0 - eps)
    sgn = jnp.sign(jnp.sum(u2 * n1, axis=1, keepdims=True))
    sind = sgn * jnp.sqrt(1.0 - cosd * cosd)
    return cosd, sind


def _node_body(n_ref, ca_ref, c_ref, wnl_ref, bnl_ref, wne_ref, bne_ref,
               gn_ref, ben_ref, v_ref, p_ref):
    natm = n_ref[0]
    ca = ca_ref[0]
    catm = c_ref[0]
    l = ca.shape[0]
    li = lax.broadcasted_iota(jnp.int32, (l, 1), 0)

    av = _norm_rows(ca - natm)
    bv = _norm_rows(catm - ca)
    cv = _norm_rows(_shift_up(natm) - catm)
    cprev = _shift_down(cv)

    c0, s0 = _angle_feats(cprev, av, bv)
    c1, s1 = _angle_feats(av, bv, cv)
    c2, s2 = _angle_feats(bv, cv, _shift_up(av))
    one = jnp.ones_like(c0)
    zero = jnp.zeros_like(c0)
    m0 = li >= 1
    m12 = li <= l - 2
    vfeat = jnp.concatenate([
        jnp.where(m0, c0, one), jnp.where(m12, c1, one),
        jnp.where(m12, c2, one), jnp.where(m0, s0, zero),
        jnp.where(m12, s1, zero), jnp.where(m12, s2, zero)], axis=1)

    h = jnp.dot(vfeat, wnl_ref[...], preferred_element_type=jnp.float32,
                precision=lax.Precision.HIGHEST)
    h = h + bnl_ref[...]
    h = jnp.dot(h, wne_ref[...], preferred_element_type=jnp.float32,
                precision=lax.Precision.HIGHEST)
    h = h + bne_ref[...]
    mu = jnp.mean(h, axis=1, keepdims=True)
    var = jnp.mean((h - mu) ** 2, axis=1, keepdims=True)
    v_ref[0] = (h - mu) / jnp.sqrt(var + 1e-5) * gn_ref[...] + ben_ref[...]

    u = _norm_rows(_shift_up(ca) - ca)
    uprev = _shift_down(u)
    o1 = _norm_rows(uprev - u)
    n2 = _norm_rows(_cross_rows(uprev, u))
    mid = _cross_rows(o1, n2)
    mo = (li >= 1) & (li <= l - 3)
    zero3 = jnp.zeros_like(o1)
    o1 = jnp.where(mo, o1, zero3)
    mid = jnp.where(mo, mid, zero3)
    n2 = jnp.where(mo, n2, zero3)
    p_ref[0] = jnp.concatenate(
        [ca, o1, mid, n2, jnp.zeros((l, 4), jnp.float32)], axis=1)


def _node_feats(natm, ca, catm, wnl, bnl, wne, bne, gn, ben):
    b, l, _ = ca.shape
    full = lambda shape: pl.BlockSpec(shape, lambda bb: tuple(0 for _ in shape))
    coord = pl.BlockSpec((1, l, 3), lambda bb: (bb, 0, 0))
    return pl.pallas_call(
        _node_body,
        grid=(b,),
        in_specs=[
            coord, coord, coord,
            full((6, NF)), full((1, NF)), full((NF, NF)), full((1, NF)),
            full((1, NF)), full((1, NF)),
        ],
        out_specs=(
            pl.BlockSpec((1, l, NF), lambda bb: (bb, 0, 0)),
            pl.BlockSpec((1, l, 16), lambda bb: (bb, 0, 0)),
        ),
        out_shape=(
            jax.ShapeDtypeStruct((b, l, NF), jnp.float32),
            jax.ShapeDtypeStruct((b, l, 16), jnp.float32),
        ),
    )(natm, ca, catm, wnl, bnl, wne, bne, gn, ben)



def _sc_gather(idx3, table):
    nw, steps, chunk = idx3.shape
    rows_per_w = steps * chunk
    total = nw * rows_per_w
    mesh = plsc.VectorSubcoreMesh(core_axis_name="c", subcore_axis_name="s")

    @functools.partial(
        pl.kernel,
        out_type=jax.ShapeDtypeStruct((total, 16), jnp.float32),
        mesh=mesh,
        scratch_types=[
            pltpu.VMEM((steps, chunk), jnp.int32),
            pltpu.VMEM((chunk, 16), jnp.float32),
            pltpu.SemaphoreType.DMA,
        ],
        compiler_params=pltpu.CompilerParams(use_tc_tiling_on_sc=False),
    )
    def gather_kernel(idx_hbm, tab_hbm, out_hbm, idx_v, buf, sem):
        wid = lax.axis_index("s") * SC_CORES + lax.axis_index("c")
        base = wid * rows_per_w
        pltpu.sync_copy(idx_hbm.at[wid], idx_v)

        def step(j, carry):
            pltpu.async_copy(tab_hbm.at[idx_v.at[j]], buf, sem).wait()
            pltpu.sync_copy(buf, out_hbm.at[pl.ds(base + j * chunk, chunk)])
            return carry

        lax.fori_loop(0, steps, step, 0)

    return gather_kernel(idx3, table)



def _edge_body(g_ref, p_ref, dnb_ref, dclip_ref, wpos_ref, bpos_ref,
               wel_ref, bel_ref, wee_ref, bee_ref, ge_ref, bee2_ref, e_ref):
    g = g_ref[0]
    p = p_ref[0]
    tl = p.shape[0]
    n = g.shape[0]
    rr = jnp.reshape(
        jnp.broadcast_to(p[:, None, :], (tl, TOP_K, 16)), (n, 16))

    gt = jnp.transpose(g[:, 0:12])
    rt = jnp.transpose(rr[:, 0:12])
    bfr = lambda x: x.astype(jnp.bfloat16).astype(jnp.float32)
    oi = [bfr(rt[3 + t:4 + t, :]) for t in range(9)]
    oj = [bfr(gt[3 + t:4 + t, :]) for t in range(9)]
    dx = [bfr(gt[c:c + 1, :] - rt[c:c + 1, :]) for c in range(3)]

    du = [oi[3 * i] * dx[0] + oi[3 * i + 1] * dx[1] + oi[3 * i + 2] * dx[2]
          for i in range(3)]
    inv = 1.0 / jnp.maximum(
        jnp.sqrt(du[0] * du[0] + du[1] * du[1] + du[2] * du[2]), 1e-12)
    du = [x * inv for x in du]

    rm = [oi[i] * oj[m] + oi[3 + i] * oj[3 + m] + oi[6 + i] * oj[6 + m]
          for i in range(3) for m in range(3)]
    rxx, ryy, rzz = rm[0], rm[4], rm[8]
    mq = [rxx - ryy - rzz, ryy - rxx - rzz, rzz - rxx - ryy]
    sd = [rm[7] - rm[5], rm[2] - rm[6], rm[3] - rm[1]]
    xyz = [jnp.sign(s) * (0.5 * jnp.sqrt(jnp.abs(1.0 + m) + 1e-6))
           for s, m in zip(sd, mq)]
    w = 0.5 * jnp.sqrt(jax.nn.relu(1.0 + (rxx + ryy + rzz)) + 1e-6)
    qinv = 1.0 / jnp.maximum(
        jnp.sqrt(xyz[0] * xyz[0] + xyz[1] * xyz[1] + xyz[2] * xyz[2] + w * w),
        1e-12)
    qrows = [x * qinv for x in xyz] + [w * qinv]
    duq = jnp.transpose(jnp.concatenate(du + qrows, axis=0))

    dn = dnb_ref[0]
    sig = (22.0 - 2.0) / NUM_RBF
    rbf_rows = [jnp.exp(-(((dn - (2.0 + r * (20.0 / (NUM_RBF - 1)))) / sig)
                          ** 2)) for r in range(NUM_RBF)]
    rbf = jnp.transpose(jnp.concatenate(rbf_rows, axis=0))

    d = jnp.transpose(dclip_ref[0])
    lane66 = lax.broadcasted_iota(jnp.int32, (n, 2 * MAX_REL + 2), 1)
    oh = (lane66 == d).astype(jnp.float32)
    epos = jnp.dot(oh, wpos_ref[...], preferred_element_type=jnp.float32,
                precision=lax.Precision.HIGHEST)
    epos = epos + bpos_ref[...]

    efeat = jnp.concatenate([epos, rbf, duq], axis=1)
    h = jnp.dot(efeat, wel_ref[...], preferred_element_type=jnp.float32,
                precision=lax.Precision.HIGHEST)
    h = h + bel_ref[...]
    h = jnp.dot(h, wee_ref[...], preferred_element_type=jnp.float32,
                precision=lax.Precision.HIGHEST)
    h = h + bee_ref[...]
    mu = jnp.mean(h, axis=1, keepdims=True)
    var = jnp.mean((h - mu) ** 2, axis=1, keepdims=True)
    e_ref[0] = (h - mu) / jnp.sqrt(var + 1e-5) * ge_ref[...] + bee2_ref[...]


def _edge_feats(g, p, dnbc, dclipc, wpos, bpos, wel, bel, wee, bee, ge, bee2):
    b, lk, _ = g.shape
    l = p.shape[1]
    tl = _TL_EDGE
    n = tl * TOP_K
    full = lambda shape: pl.BlockSpec(shape, lambda bb, ii: tuple(0 for _ in shape))
    return pl.pallas_call(
        _edge_body,
        grid=(b, l // tl),
        in_specs=[
            pl.BlockSpec((1, n, 16), lambda bb, ii: (bb, ii, 0)),
            pl.BlockSpec((1, tl, 16), lambda bb, ii: (bb, ii, 0)),
            pl.BlockSpec((1, 1, n), lambda bb, ii: (bb, 0, ii)),
            pl.BlockSpec((1, 1, n), lambda bb, ii: (bb, 0, ii)),
            full((2 * MAX_REL + 2, 16)), full((1, 16)),
            full((16 + NUM_RBF + 7, EF)), full((1, EF)),
            full((EF, EF)), full((1, EF)), full((1, EF)), full((1, EF)),
        ],
        out_specs=pl.BlockSpec((1, n, EF), lambda bb, ii: (bb, ii, 0)),
        out_shape=jax.ShapeDtypeStruct((b, lk, EF), jnp.float32),
    )(g, p, dnbc, dclipc, wpos, bpos, wel, bel, wee, bee, ge, bee2)



def kernel(X, mask, residue_idx, chain_labels, W_pos, b_pos, W_nl, b_nl,
           W_ne, b_ne, g_n, be_n, W_el, b_el, W_ee, b_ee, g_e, be_e):
    b, l = X.shape[0], X.shape[1]
    natm = X[:, :, 0, :]
    ca = X[:, :, 1, :]
    catm = X[:, :, 2, :]
    cat = jnp.transpose(ca, (0, 2, 1))

    dnb, eidx, egidx, dclip = _dist_topk(ca, cat)

    v, p = _node_feats(natm, ca, catm, W_nl, b_nl[None, :], W_ne,
                       b_ne[None, :], g_n[None, :], be_n[None, :])

    total = b * l * TOP_K
    steps = total // (SC_WORKERS * GATHER_CHUNK)
    idx3 = egidx.reshape(SC_WORKERS, steps, GATHER_CHUNK)
    g = _sc_gather(idx3, p.reshape(b * l, 16))

    e = _edge_feats(
        g.reshape(b, l * TOP_K, 16), p,
        dnb.reshape(b, 1, l * TOP_K), dclip.reshape(b, 1, l * TOP_K),
        W_pos, b_pos[None, :], W_el, b_el[None, :], W_ee, b_ee[None, :],
        g_e[None, :], be_e[None, :])

    return v, e.reshape(b, l, TOP_K, EF), eidx

# --- scband reference (transcript-rebuilt; emitter-appended) ---
"""Pipeline reference for scband-protein-features-87514253623869 (READ-ONLY COPY).

The authoritative reference and input builder live on the scoring server;
editing this copy changes nothing except your own understanding.
"""

import jax, jax.numpy as jnp
import numpy as np

NUM_RBF = 16
TOP_K = 30
MAX_REL = 32

def _normalize(x, axis=-1, eps=1e-12):
    n = jnp.linalg.norm(x, axis=axis, keepdims=True)
    return x / jnp.maximum(n, eps)

def _layer_norm(x, g, b, eps=1e-5):
    mu = jnp.mean(x, -1, keepdims=True)
    var = jnp.var(x, -1, keepdims=True)
    return (x - mu) / jnp.sqrt(var + eps) * g + b

def _gather_nodes(nodes, idx):
    B, L, K = idx.shape
    flat = idx.reshape(B, L * K)
    out = jnp.take_along_axis(nodes, flat[:, :, None], axis=1)
    return out.reshape(B, L, K, nodes.shape[-1])

def _dihedrals(X, eps=1e-7):
    B, L = X.shape[0], X.shape[1]
    Xb = X[:, :, :3, :].reshape(B, 3 * L, 3)
    dX = Xb[:, 1:, :] - Xb[:, :-1, :]
    U = _normalize(dX)
    u_2 = U[:, :-2, :]; u_1 = U[:, 1:-1, :]; u_0 = U[:, 2:, :]
    n_2 = _normalize(jnp.cross(u_2, u_1))
    n_1 = _normalize(jnp.cross(u_1, u_0))
    cosD = jnp.clip(jnp.sum(n_2 * n_1, -1), -1.0 + eps, 1.0 - eps)
    Dang = jnp.sign(jnp.sum(u_2 * n_1, -1)) * jnp.arccos(cosD)
    Dang = jnp.pad(Dang, ((0, 0), (1, 2)))
    Dang = Dang.reshape(B, L, 3)
    return jnp.concatenate([jnp.cos(Dang), jnp.sin(Dang)], -1)

def _dist(Xca, mask, eps=1e-6):
    mask_2D = mask[:, None, :] * mask[:, :, None]
    dX = Xca[:, None, :, :] - Xca[:, :, None, :]
    D = mask_2D * jnp.sqrt(jnp.sum(dX * dX, -1) + eps)
    D_max = jnp.max(D, -1, keepdims=True)
    D_adjust = D + (1.0 - mask_2D) * D_max
    negD, E_idx = jax.lax.top_k(-D_adjust, TOP_K)
    return -negD, E_idx

def _rbf(D):
    D_mu = jnp.linspace(2.0, 22.0, NUM_RBF)
    D_sigma = (22.0 - 2.0) / NUM_RBF
    return jnp.exp(-(((D[..., None] - D_mu) / D_sigma) ** 2))

def _quaternions(R):
    diag = jnp.diagonal(R, axis1=-2, axis2=-1)
    Rxx, Ryy, Rzz = diag[..., 0], diag[..., 1], diag[..., 2]
    magnitudes = 0.5 * jnp.sqrt(jnp.abs(1.0 + jnp.stack([Rxx - Ryy - Rzz, -Rxx + Ryy - Rzz, -Rxx - Ryy + Rzz], -1)) + 1e-6)
    signs = jnp.sign(jnp.stack([R[..., 2, 1] - R[..., 1, 2], R[..., 0, 2] - R[..., 2, 0], R[..., 1, 0] - R[..., 0, 1]], -1))
    xyz = signs * magnitudes
    w = jnp.sqrt(jax.nn.relu(1.0 + Rxx + Ryy + Rzz) + 1e-6)[..., None] * 0.5
    Q = jnp.concatenate([xyz, w], -1)
    return _normalize(Q)

def _orientations_coarse(Xca, E_idx):
    B, L = Xca.shape[0], Xca.shape[1]
    dX = Xca[:, 1:, :] - Xca[:, :-1, :]
    U = _normalize(dX)
    u_2 = U[:, :-2, :]; u_1 = U[:, 1:-1, :]
    n_2 = _normalize(jnp.cross(u_2, u_1))
    o_1 = _normalize(u_2 - u_1)
    O = jnp.stack([o_1, jnp.cross(o_1, n_2), n_2], axis=2)
    O = O.reshape(B, L - 3, 9)
    O = jnp.pad(O, ((0, 0), (1, 2), (0, 0)))
    O_neighbors = _gather_nodes(O, E_idx)
    X_neighbors = _gather_nodes(Xca, E_idx)
    O_m = O.reshape(B, L, 3, 3)
    O_nb = O_neighbors.reshape(B, L, -1, 3, 3)
    dXn = X_neighbors - Xca[:, :, None, :]
    dU = _normalize(jnp.einsum('blij,blkj->blki', O_m, dXn))
    R = jnp.einsum('blji,blkjm->blkim', O_m, O_nb)
    Q = _quaternions(R)
    return jnp.concatenate([dU, Q], -1)

def setup_inputs(seed: int = 0):
    key = jax.random.key(seed)
    ks = jax.random.split(key, 8)
    B, L = 8, 1024
    NF, EF = 128, 128
    X = jax.random.normal(ks[0], (B, L, 4, 3), dtype=jnp.float32) * 10.0
    mask = jnp.ones((B, L), dtype=jnp.float32)
    residue_idx = jnp.arange(B * L, dtype=jnp.int32).reshape(B, L)
    chain_labels = jnp.zeros((B, L), dtype=jnp.int32)
    def lin(k, fi, fo):
        return jax.random.normal(k, (fi, fo), dtype=jnp.float32) / np.sqrt(fi)
    return {
        'X': X, 'mask': mask, 'residue_idx': residue_idx, 'chain_labels': chain_labels,
        'W_pos': lin(ks[1], 2 * MAX_REL + 2, 16), 'b_pos': jnp.zeros((16,), jnp.float32),
        'W_nl': lin(ks[2], 6, NF), 'b_nl': jnp.zeros((NF,), jnp.float32),
        'W_ne': lin(ks[3], NF, NF), 'b_ne': jnp.zeros((NF,), jnp.float32),
        'g_n': jnp.ones((NF,), jnp.float32), 'be_n': jnp.zeros((NF,), jnp.float32),
        'W_el': lin(ks[4], 16 + NUM_RBF + 7, EF), 'b_el': jnp.zeros((EF,), jnp.float32),
        'W_ee': lin(ks[5], EF, EF), 'b_ee': jnp.zeros((EF,), jnp.float32),
        'g_e': jnp.ones((EF,), jnp.float32), 'be_e': jnp.zeros((EF,), jnp.float32),
    }

def reference(X, mask, residue_idx, chain_labels, W_pos, b_pos, W_nl, b_nl, W_ne, b_ne, g_n, be_n, W_el, b_el, W_ee, b_ee, g_e, be_e):
    Xca = X[:, :, 1, :]
    D_neighbors, E_idx = _dist(Xca, mask)
    RBF_all = _rbf(D_neighbors)
    O_features = _orientations_coarse(Xca, E_idx)
    offset = residue_idx[:, :, None] - residue_idx[:, None, :]
    offset_g = jnp.take_along_axis(offset, E_idx, axis=2)
    d_chains = (chain_labels[:, :, None] == chain_labels[:, None, :]).astype(jnp.int32)
    E_chains = jnp.take_along_axis(d_chains, E_idx, axis=2)
    d = jnp.clip(offset_g + MAX_REL, 0, 2 * MAX_REL) * E_chains + (1 - E_chains) * (2 * MAX_REL + 1)
    d_onehot = jax.nn.one_hot(d, 2 * MAX_REL + 2, dtype=jnp.float32)
    E_positional = d_onehot @ W_pos + b_pos
    E_feat = jnp.concatenate([E_positional, RBF_all, O_features], -1)
    V_feat = _dihedrals(X)
    V = _layer_norm((V_feat @ W_nl + b_nl) @ W_ne + b_ne, g_n, be_n)
    E = _layer_norm((E_feat @ W_el + b_el) @ W_ee + b_ee, g_e, be_e)
    return V, E, E_idx

if __name__ == "__main__":
    import jax
    _d = setup_inputs()
    print(jax.jit(kernel)(*tuple(_d.values())))

</pallas_src>

<mosaic_0001>
#map = affine_map<(d0, d1) -> (0, 0, 0)>
#map1 = affine_map<(d0, d1) -> (0, 0)>
module attributes {stable_mosaic.version = 14 : i64} {
  func.func @gather_kernel(%arg0: i32, %arg1: i32, %arg2: memref<32x60x128xi32, #tpu.memory_space<hbm>>, %arg3: memref<8192x16xf32, #tpu.memory_space<hbm>>, %arg4: memref<245760x16xf32, #tpu.memory_space<hbm>>, %arg5: memref<60x128xi32, #tpu.memory_space<vmem>>, %arg6: memref<128x16xf32, #tpu.memory_space<vmem>>, %arg7: memref<!tpu.dma_semaphore, #tpu.memory_space<semaphore_mem>>) attributes {dimension_semantics = [#tpu.dimension_semantics<core_parallel>, #tpu.dimension_semantics<subcore_parallel>], iteration_bounds = array<i64: 2, 16>, scalar_prefetch = 0 : i64, scratch_operands = 3 : i64, tpu.core_type = #tpu.core_type<sc_vector_subcore>, window_params = [{transform_indices = #map}, {transform_indices = #map1}, {transform_indices = #map1}]} {
    %mul3A = arith.constant 2 : i32
    %mul3A_0 = arith.muli %arg1, %mul3A : i32
    %add3A = arith.addi %mul3A_0, %arg0 : i32
    %mul3A_1 = arith.constant 7680 : i32
    %mul3A_2 = arith.muli %add3A, %mul3A_1 : i32
    "tpu.region"() ({
      %run_scoped3A = tpu.sem_alloc : memref<!tpu.dma_semaphore, #tpu.memory_space<semaphore_mem>>
      %dma_start3A = arith.constant 0 : i32
      %dma_start3A_8 = arith.constant 0 : i32
      %dma_start3A_9 = tpu.memref_slice %arg2[%add3A, %dma_start3A, %dma_start3A_8] : memref<32x60x128xi32, #tpu.memory_space<hbm>> -> memref<1x60x128xi32, #tpu.memory_space<hbm>>
      %dma_start3A_10 = tpu.memref_squeeze %dma_start3A_9 : memref<1x60x128xi32, #tpu.memory_space<hbm>> -> memref<60x128xi32, #tpu.memory_space<hbm>>
      %dma_start3A_11 = arith.constant 0 : i32
      %dma_start3A_12 = arith.constant 0 : i32
      %dma_start3A_13 = tpu.memref_slice %arg2[%add3A, %dma_start3A_11, %dma_start3A_12] : memref<32x60x128xi32, #tpu.memory_space<hbm>> -> memref<1x60x128xi32, #tpu.memory_space<hbm>>
      %dma_start3A_14 = tpu.memref_squeeze %dma_start3A_13 : memref<1x60x128xi32, #tpu.memory_space<hbm>> -> memref<60x128xi32, #tpu.memory_space<hbm>>
      tpu.enqueue_dma source(%dma_start3A_14 : memref<60x128xi32, #tpu.memory_space<hbm>>) target(%arg5 : memref<60x128xi32, #tpu.memory_space<vmem>>) target_semaphore(%run_scoped3A : memref<!tpu.dma_semaphore, #tpu.memory_space<semaphore_mem>>)
      %dma_wait3A = arith.constant 0 : i32
      %dma_wait3A_15 = arith.constant 0 : i32
      %dma_wait3A_16 = tpu.memref_slice %arg2[%add3A, %dma_wait3A, %dma_wait3A_15] : memref<32x60x128xi32, #tpu.memory_space<hbm>> -> memref<1x60x128xi32, #tpu.memory_space<hbm>>
      %dma_wait3A_17 = tpu.memref_squeeze %dma_wait3A_16 : memref<1x60x128xi32, #tpu.memory_space<hbm>> -> memref<60x128xi32, #tpu.memory_space<hbm>>
      %dma_wait3A_18 = arith.constant 0 : i32
      %dma_wait3A_19 = arith.constant 0 : i32
      %dma_wait3A_20 = tpu.memref_slice %arg2[%add3A, %dma_wait3A_18, %dma_wait3A_19] : memref<32x60x128xi32, #tpu.memory_space<hbm>> -> memref<1x60x128xi32, #tpu.memory_space<hbm>>
      %dma_wait3A_21 = tpu.memref_squeeze %dma_wait3A_20 : memref<1x60x128xi32, #tpu.memory_space<hbm>> -> memref<60x128xi32, #tpu.memory_space<hbm>>
      tpu.wait_dma2 semaphore(%run_scoped3A : memref<!tpu.dma_semaphore, #tpu.memory_space<semaphore_mem>>) src(%dma_wait3A_21 : memref<60x128xi32, #tpu.memory_space<hbm>>) dst(%arg5 : memref<60x128xi32, #tpu.memory_space<vmem>>)
      tpu.yield
    }) : () -> ()
    %scan3A = arith.constant 0 : i32
    %scan3A_3 = arith.constant 0 : i32
    %scan3A_4 = arith.constant 60 : i32
    %scan3A_5 = arith.addi %scan3A_3, %scan3A_4 : i32
    %scan3A_6 = arith.constant 1 : i32
    scf.for %scan3A_8 = %scan3A_3 to %scan3A_5 step %scan3A_6  : i32 {
      %dma_start3A = arith.constant 0 : i32
      %dma_start3A_9 = tpu.memref_slice %arg5[%scan3A_8, %dma_start3A] : memref<60x128xi32, #tpu.memory_space<vmem>> -> memref<1x128xi32, #tpu.memory_space<vmem>>
      %dma_start3A_10 = tpu.memref_squeeze %dma_start3A_9 : memref<1x128xi32, #tpu.memory_space<vmem>> -> memref<128xi32, #tpu.memory_space<vmem>>
      %dma_start3A_11 = arith.constant 0 : i32
      %dma_start3A_12 = arith.constant 0 : i32
      %dma_start3A_13 = tpu.memref_slice %arg3[%dma_start3A_11, %dma_start3A_12] : memref<8192x16xf32, #tpu.memory_space<hbm>> -> memref<8192x16xf32, #tpu.memory_space<hbm>>
      tpu.enqueue_indirect_dma source(%dma_start3A_13 : memref<8192x16xf32, #tpu.memory_space<hbm>>) target(%arg6 : memref<128x16xf32, #tpu.memory_space<vmem>>) offsets(%dma_start3A_10 : memref<128xi32, #tpu.memory_space<vmem>>) semaphore(%arg7 : memref<!tpu.dma_semaphore, #tpu.memory_space<semaphore_mem>>)
      %dma_wait3A = arith.constant 0 : i32
      %dma_wait3A_14 = tpu.memref_slice %arg5[%scan3A_8, %dma_wait3A] : memref<60x128xi32, #tpu.memory_space<vmem>> -> memref<1x128xi32, #tpu.memory_space<vmem>>
      %dma_wait3A_15 = tpu.memref_squeeze %dma_wait3A_14 : memref<1x128xi32, #tpu.memory_space<vmem>> -> memref<128xi32, #tpu.memory_space<vmem>>
      %dma_wait3A_16 = arith.constant 0 : i32
      %dma_wait3A_17 = arith.constant 0 : i32
      %dma_wait3A_18 = tpu.memref_slice %arg3[%dma_wait3A_16, %dma_wait3A_17] : memref<8192x16xf32, #tpu.memory_space<hbm>> -> memref<8192x16xf32, #tpu.memory_space<hbm>>
      tpu.wait_indirect_dma semaphore(%arg7 : memref<!tpu.dma_semaphore, #tpu.memory_space<semaphore_mem>>) src(%dma_wait3A_18 : memref<8192x16xf32, #tpu.memory_space<hbm>>) dst(%arg6 : memref<128x16xf32, #tpu.memory_space<vmem>>)
      %mul3A_19 = arith.constant 128 : i32
      %mul3A_20 = arith.muli %scan3A_8, %mul3A_19 : i32
      %add3A_21 = arith.addi %mul3A_2, %mul3A_20 : i32
      "tpu.region"() ({
        %run_scoped3A = tpu.sem_alloc : memref<!tpu.dma_semaphore, #tpu.memory_space<semaphore_mem>>
        %dma_start3A_22 = arith.constant 0 : i32
        %dma_start3A_23 = tpu.memref_slice %arg4[%add3A_21, %dma_start3A_22] : memref<245760x16xf32, #tpu.memory_space<hbm>> -> memref<128x16xf32, #tpu.memory_space<hbm>>
        %dma_start3A_24 = arith.constant 0 : i32
        %dma_start3A_25 = tpu.memref_slice %arg4[%add3A_21, %dma_start3A_24] : memref<245760x16xf32, #tpu.memory_space<hbm>> -> memref<128x16xf32, #tpu.memory_space<hbm>>
        tpu.enqueue_dma source(%arg6 : memref<128x16xf32, #tpu.memory_space<vmem>>) target(%dma_start3A_25 : memref<128x16xf32, #tpu.memory_space<hbm>>) target_semaphore(%run_scoped3A : memref<!tpu.dma_semaphore, #tpu.memory_space<semaphore_mem>>)
        %dma_wait3A_26 = arith.constant 0 : i32
        %dma_wait3A_27 = tpu.memref_slice %arg4[%add3A_21, %dma_wait3A_26] : memref<245760x16xf32, #tpu.memory_space<hbm>> -> memref<128x16xf32, #tpu.memory_space<hbm>>
        %dma_wait3A_28 = arith.constant 0 : i32
        %dma_wait3A_29 = tpu.memref_slice %arg4[%add3A_21, %dma_wait3A_28] : memref<245760x16xf32, #tpu.memory_space<hbm>> -> memref<128x16xf32, #tpu.memory_space<hbm>>
        tpu.wait_dma2 semaphore(%run_scoped3A : memref<!tpu.dma_semaphore, #tpu.memory_space<semaphore_mem>>) src(%arg6 : memref<128x16xf32, #tpu.memory_space<vmem>>) dst(%dma_wait3A_29 : memref<128x16xf32, #tpu.memory_space<hbm>>)
        tpu.yield
      }) : () -> ()
    }
    %scan3A_7 = arith.constant 60 : i32
    return
  }
}

module attributes {stable_mosaic.version = 14 : i64} {
  func.func @_node_body(%arg0: i32, %arg1: memref<1x1024x3xf32, #tpu.memory_space<vmem>>, %arg2: memref<1x1024x3xf32, #tpu.memory_space<vmem>>, %arg3: memref<1x1024x3xf32, #tpu.memory_space<vmem>>, %arg4: memref<6x128xf32, #tpu.memory_space<vmem>>, %arg5: memref<1x128xf32, #tpu.memory_space<vmem>>, %arg6: memref<128x128xf32, #tpu.memory_space<vmem>>, %arg7: memref<1x128xf32, #tpu.memory_space<vmem>>, %arg8: memref<1x128xf32, #tpu.memory_space<vmem>>, %arg9: memref<1x128xf32, #tpu.memory_space<vmem>>, %arg10: memref<1x1024x128xf32, #tpu.memory_space<vmem>>, %arg11: memref<1x1024x16xf32, #tpu.memory_space<vmem>>) attributes {dimension_semantics = [#tpu.dimension_semantics<arbitrary>], iteration_bounds = array<i64: 8>, scalar_prefetch = 0 : i64, scratch_operands = 0 : i64, tpu.core_type = #tpu.core_type<tc>, window_params = [{transform_indices = @transform_0, window_bounds = array<i64: 1, 1024, 3>}, {transform_indices = @transform_1, window_bounds = array<i64: 1, 1024, 3>}, {transform_indices = @transform_2, window_bounds = array<i64: 1, 1024, 3>}, {pipeline_mode = #tpu.pipeline_mode<synchronous>, transform_indices = @transform_3, window_bounds = array<i64: 6, 128>}, {pipeline_mode = #tpu.pipeline_mode<synchronous>, transform_indices = @transform_4, window_bounds = array<i64: 1, 128>}, {pipeline_mode = #tpu.pipeline_mode<synchronous>, transform_indices = @transform_5, window_bounds = array<i64: 128, 128>}, {pipeline_mode = #tpu.pipeline_mode<synchronous>, transform_indices = @transform_6, window_bounds = array<i64: 1, 128>}, {pipeline_mode = #tpu.pipeline_mode<synchronous>, transform_indices = @transform_7, window_bounds = array<i64: 1, 128>}, {pipeline_mode = #tpu.pipeline_mode<synchronous>, transform_indices = @transform_8, window_bounds = array<i64: 1, 128>}, {transform_indices = @transform_9, window_bounds = array<i64: 1, 1024, 128>}, {transform_indices = @transform_10, window_bounds = array<i64: 1, 1024, 16>}]} {
    %get3A = arith.constant 0 : index
    %get3A_0 = arith.constant 0 : index
    %get3A_1 = arith.constant 0 : index
    %get3A_2 = vector.load %arg1[%get3A, %get3A_0, %get3A_1] : memref<1x1024x3xf32, #tpu.memory_space<vmem>>, vector<1x1024x3xf32>
    %get3A_3 = vector.shape_cast %get3A_2 : vector<1x1024x3xf32> to vector<1024x3xf32>
    %get3A_4 = arith.constant 0 : index
    %get3A_5 = arith.constant 0 : index
    %get3A_6 = arith.constant 0 : index
    %get3A_7 = vector.load %arg2[%get3A_4, %get3A_5, %get3A_6] : memref<1x1024x3xf32, #tpu.memory_space<vmem>>, vector<1x1024x3xf32>
    %get3A_8 = vector.shape_cast %get3A_7 : vector<1x1024x3xf32> to vector<1024x3xf32>
    %get3A_9 = arith.constant 0 : index
    %get3A_10 = arith.constant 0 : index
    %get3A_11 = arith.constant 0 : index
    %get3A_12 = vector.load %arg3[%get3A_9, %get3A_10, %get3A_11] : memref<1x1024x3xf32, #tpu.memory_space<vmem>>, vector<1x1024x3xf32>
    %get3A_13 = vector.shape_cast %get3A_12 : vector<1x1024x3xf32> to vector<1024x3xf32>
    %iota3A = tpu.iota {dimensions = array<i32: 0>} : vector<1024x1xi32>
    %sub3A = arith.subf %get3A_8, %get3A_3 : vector<1024x3xf32>
    %mul3A = arith.mulf %sub3A, %sub3A : vector<1024x3xf32>
    %reduce_sum3A = arith.constant dense<0.000000e+00> : vector<1024xf32>
    %reduce_sum3A_14 = vector.multi_reduction <add>, %mul3A, %reduce_sum3A [1] : vector<1024x3xf32> to vector<1024xf32>
    %broadcast_in_dim3A = vector.shape_cast %reduce_sum3A_14 : vector<1024xf32> to vector<1024x1xf32>
    %sqrt3A = math.sqrt %broadcast_in_dim3A : vector<1024x1xf32>
    %max3A = arith.constant 9.99999996E-13 : f32
    %max3A_15 = vector.broadcast %max3A : f32 to vector<1024x1xf32>
    %max3A_16 = arith.maximumf %sqrt3A, %max3A_15 : vector<1024x1xf32>
    %div3A = vector.broadcast %max3A_16 : vector<1024x1xf32> to vector<1024x3xf32>
    %div3A_17 = arith.divf %sub3A, %div3A : vector<1024x3xf32>
    %sub3A_18 = arith.subf %get3A_13, %get3A_8 : vector<1024x3xf32>
    %mul3A_19 = arith.mulf %sub3A_18, %sub3A_18 : vector<1024x3xf32>
    %reduce_sum3A_20 = arith.constant dense<0.000000e+00> : vector<1024xf32>
    %reduce_sum3A_21 = vector.multi_reduction <add>, %mul3A_19, %reduce_sum3A_20 [1] : vector<1024x3xf32> to vector<1024xf32>
    %broadcast_in_dim3A_22 = vector.shape_cast %reduce_sum3A_21 : vector<1024xf32> to vector<1024x1xf32>
    %sqrt3A_23 = math.sqrt %broadcast_in_dim3A_22 : vector<1024x1xf32>
    %max3A_24 = arith.constant 9.99999996E-13 : f32
    %max3A_25 = vector.broadcast %max3A_24 : f32 to vector<1024x1xf32>
    %max3A_26 = arith.maximumf %sqrt3A_23, %max3A_25 : vector<1024x1xf32>
    %div3A_27 = vector.broadcast %max3A_26 : vector<1024x1xf32> to vector<1024x3xf32>
    %div3A_28 = arith.divf %sub3A_18, %div3A_27 : vector<1024x3xf32>
    %broadcast_in_dim3A_29 = arith.constant 0.000000e+00 : f32
    %broadcast_in_dim3A_30 = vector.broadcast %broadcast_in_dim3A_29 : f32 to vector<1x3xf32>
    %slice3A = vector.extract_strided_slice %get3A_3 {offsets = [1, 0], sizes = [1023, 3], strides = [1, 1]} : vector<1024x3xf32> to vector<1023x3xf32>
    %concatenate3A = tpu.concatenate %slice3A, %broadcast_in_dim3A_30 in 0 : vector<1023x3xf32>, vector<1x3xf32> -> vector<1024x3xf32>
    %sub3A_31 = arith.subf %concatenate3A, %get3A_13 : vector<1024x3xf32>
    %mul3A_32 = arith.mulf %sub3A_31, %sub3A_31 : vector<1024x3xf32>
    %reduce_sum3A_33 = arith.constant dense<0.000000e+00> : vector<1024xf32>
    %reduce_sum3A_34 = vector.multi_reduction <add>, %mul3A_32, %reduce_sum3A_33 [1] : vector<1024x3xf32> to vector<1024xf32>
    %broadcast_in_dim3A_35 = vector.shape_cast %reduce_sum3A_34 : vector<1024xf32> to vector<1024x1xf32>
    %sqrt3A_36 = math.sqrt %broadcast_in_dim3A_35 : vector<1024x1xf32>
    %max3A_37 = arith.constant 9.99999996E-13 : f32
    %max3A_38 = vector.broadcast %max3A_37 : f32 to vector<1024x1xf32>
    %max3A_39 = arith.maximumf %sqrt3A_36, %max3A_38 : vector<1024x1xf32>
    %div3A_40 = vector.broadcast %max3A_39 : vector<1024x1xf32> to vector<1024x3xf32>
    %div3A_41 = arith.divf %sub3A_31, %div3A_40 : vector<1024x3xf32>
    %broadcast_in_dim3A_42 = arith.constant 0.000000e+00 : f32
    %broadcast_in_dim3A_43 = vector.broadcast %broadcast_in_dim3A_42 : f32 to vector<1x3xf32>
    %slice3A_44 = vector.extract_strided_slice %div3A_41 {offsets = [0, 0], sizes = [1023, 3], strides = [1, 1]} : vector<1024x3xf32> to vector<1023x3xf32>
    %concatenate3A_45 = tpu.concatenate %broadcast_in_dim3A_43, %slice3A_44 in 0 : vector<1x3xf32>, vector<1023x3xf32> -> vector<1024x3xf32>
    %slice3A_46 = vector.extract_strided_slice %concatenate3A_45 {offsets = [0, 0], sizes = [1024, 1], strides = [1, 1]} : vector<1024x3xf32> to vector<1024x1xf32>
    %slice3A_47 = vector.extract_strided_slice %concatenate3A_45 {offsets = [0, 1], sizes = [1024, 1], strides = [1, 1]} : vector<1024x3xf32> to vector<1024x1xf32>
    %slice3A_48 = vector.extract_strided_slice %concatenate3A_45 {offsets = [0, 2], sizes = [1024, 1], strides = [1, 1]} : vector<1024x3xf32> to vector<1024x1xf32>
    %slice3A_49 = vector.extract_strided_slice %div3A_17 {offsets = [0, 0], sizes = [1024, 1], strides = [1, 1]} : vector<1024x3xf32> to vector<1024x1xf32>
    %slice3A_50 = vector.extract_strided_slice %div3A_17 {offsets = [0, 1], sizes = [1024, 1], strides = [1, 1]} : vector<1024x3xf32> to vector<1024x1xf32>
    %slice3A_51 = vector.extract_strided_slice %div3A_17 {offsets = [0, 2], sizes = [1024, 1], strides = [1, 1]} : vector<1024x3xf32> to vector<1024x1xf32>
    %mul3A_52 = arith.mulf %slice3A_47, %slice3A_51 : vector<1024x1xf32>
    %mul3A_53 = arith.mulf %slice3A_48, %slice3A_50 : vector<1024x1xf32>
    %sub3A_54 = arith.subf %mul3A_52, %mul3A_53 : vector<1024x1xf32>
    %mul3A_55 = arith.mulf %slice3A_48, %slice3A_49 : vector<1024x1xf32>
    %mul3A_56 = arith.mulf %slice3A_46, %slice3A_51 : vector<1024x1xf32>
    %sub3A_57 = arith.subf %mul3A_55, %mul3A_56 : vector<1024x1xf32>
    %mul3A_58 = arith.mulf %slice3A_46, %slice3A_50 : vector<1024x1xf32>
    %mul3A_59 = arith.mulf %slice3A_47, %slice3A_49 : vector<1024x1xf32>
    %sub3A_60 = arith.subf %mul3A_58, %mul3A_59 : vector<1024x1xf32>
    %concatenate3A_61 = tpu.concatenate %sub3A_54, %sub3A_57, %sub3A_60 in 1 : vector<1024x1xf32>, vector<1024x1xf32>, vector<1024x1xf32> -> vector<1024x3xf32>
    %mul3A_62 = arith.mulf %concatenate3A_61, %concatenate3A_61 : vector<1024x3xf32>
    %reduce_sum3A_63 = arith.constant dense<0.000000e+00> : vector<1024xf32>
    %reduce_sum3A_64 = vector.multi_reduction <add>, %mul3A_62, %reduce_sum3A_63 [1] : vector<1024x3xf32> to vector<1024xf32>
    %broadcast_in_dim3A_65 = vector.shape_cast %reduce_sum3A_64 : vector<1024xf32> to vector<1024x1xf32>
    %sqrt3A_66 = math.sqrt %broadcast_in_dim3A_65 : vector<1024x1xf32>
    %max3A_67 = arith.constant 9.99999996E-13 : f32
    %max3A_68 = vector.broadcast %max3A_67 : f32 to vector<1024x1xf32>
    %max3A_69 = arith.maximumf %sqrt3A_66, %max3A_68 : vector<1024x1xf32>
    %div3A_70 = vector.broadcast %max3A_69 : vector<1024x1xf32> to vector<1024x3xf32>
    %div3A_71 = arith.divf %concatenate3A_61, %div3A_70 : vector<1024x3xf32>
    %slice3A_72 = vector.extract_strided_slice %div3A_17 {offsets = [0, 0], sizes = [1024, 1], strides = [1, 1]} : vector<1024x3xf32> to vector<1024x1xf32>
    %slice3A_73 = vector.extract_strided_slice %div3A_17 {offsets = [0, 1], sizes = [1024, 1], strides = [1, 1]} : vector<1024x3xf32> to vector<1024x1xf32>
    %slice3A_74 = vector.extract_strided_slice %div3A_17 {offsets = [0, 2], sizes = [1024, 1], strides = [1, 1]} : vector<1024x3xf32> to vector<1024x1xf32>
    %slice3A_75 = vector.extract_strided_slice %div3A_28 {offsets = [0, 0], sizes = [1024, 1], strides = [1, 1]} : vector<1024x3xf32> to vector<1024x1xf32>
    %slice3A_76 = vector.extract_strided_slice %div3A_28 {offsets = [0, 1], sizes = [1024, 1], strides = [1, 1]} : vector<1024x3xf32> to vector<1024x1xf32>
    %slice3A_77 = vector.extract_strided_slice %div3A_28 {offsets = [0, 2], sizes = [1024, 1], strides = [1, 1]} : vector<1024x3xf32> to vector<1024x1xf32>
    %mul3A_78 = arith.mulf %slice3A_73, %slice3A_77 : vector<1024x1xf32>
    %mul3A_79 = arith.mulf %slice3A_74, %slice3A_76 : vector<1024x1xf32>
    %sub3A_80 = arith.subf %mul3A_78, %mul3A_79 : vector<1024x1xf32>
    %mul3A_81 = arith.mulf %slice3A_74, %slice3A_75 : vector<1024x1xf32>
    %mul3A_82 = arith.mulf %slice3A_72, %slice3A_77 : vector<1024x1xf32>
    %sub3A_83 = arith.subf %mul3A_81, %mul3A_82 : vector<1024x1xf32>
    %mul3A_84 = arith.mulf %slice3A_72, %slice3A_76 : vector<1024x1xf32>
    %mul3A_85 = arith.mulf %slice3A_73, %slice3A_75 : vector<1024x1xf32>
    %sub3A_86 = arith.subf %mul3A_84, %mul3A_85 : vector<1024x1xf32>
    %concatenate3A_87 = tpu.concatenate %sub3A_80, %sub3A_83, %sub3A_86 in 1 : vector<1024x1xf32>, vector<1024x1xf32>, vector<1024x1xf32> -> vector<1024x3xf32>
    %mul3A_88 = arith.mulf %concatenate3A_87, %concatenate3A_87 : vector<1024x3xf32>
    %reduce_sum3A_89 = arith.constant dense<0.000000e+00> : vector<1024xf32>
    %reduce_sum3A_90 = vector.multi_reduction <add>, %mul3A_88, %reduce_sum3A_89 [1] : vector<1024x3xf32> to vector<1024xf32>
    %broadcast_in_dim3A_91 = vector.shape_cast %reduce_sum3A_90 : vector<1024xf32> to vector<1024x1xf32>
    %sqrt3A_92 = math.sqrt %broadcast_in_dim3A_91 : vector<1024x1xf32>
    %max3A_93 = arith.constant 9.99999996E-13 : f32
    %max3A_94 = vector.broadcast %max3A_93 : f32 to vector<1024x1xf32>
    %max3A_95 = arith.maximumf %sqrt3A_92, %max3A_94 : vector<1024x1xf32>
    %div3A_96 = vector.broadcast %max3A_95 : vector<1024x1xf32> to vector<1024x3xf32>
    %div3A_97 = arith.divf %concatenate3A_87, %div3A_96 : vector<1024x3xf32>
    %mul3A_98 = arith.mulf %div3A_71, %div3A_97 : vector<1024x3xf32>
    %reduce_sum3A_99 = arith.constant dense<0.000000e+00> : vector<1024xf32>
    %reduce_sum3A_100 = vector.multi_reduction <add>, %mul3A_98, %reduce_sum3A_99 [1] : vector<1024x3xf32> to vector<1024xf32>
    %broadcast_in_dim3A_101 = vector.shape_cast %reduce_sum3A_100 : vector<1024xf32> to vector<1024x1xf32>
    %jit3A = arith.constant -0.99999988 : f32
    %jit3A_102 = arith.constant 0.99999988 : f32
    %max3A_103 = vector.broadcast %jit3A : f32 to vector<1024x1xf32>
    %max3A_104 = arith.maximumf %max3A_103, %broadcast_in_dim3A_101 : vector<1024x1xf32>
    %min3A = vector.broadcast %jit3A_102 : f32 to vector<1024x1xf32>
    %min3A_105 = arith.minimumf %min3A, %max3A_104 : vector<1024x1xf32>
    %mul3A_106 = arith.mulf %concatenate3A_45, %div3A_97 : vector<1024x3xf32>
    %reduce_sum3A_107 = arith.constant dense<0.000000e+00> : vector<1024xf32>
    %reduce_sum3A_108 = vector.multi_reduction <add>, %mul3A_106, %reduce_sum3A_107 [1] : vector<1024x3xf32> to vector<1024xf32>
    %broadcast_in_dim3A_109 = vector.shape_cast %reduce_sum3A_108 : vector<1024xf32> to vector<1024x1xf32>
    %sign3A = tpu.bitcast %broadcast_in_dim3A_109 : vector<1024x1xf32> -> vector<1024x1xi32>
    %sign3A_110 = arith.constant -2147483648 : i32
    %sign3A_111 = vector.broadcast %sign3A_110 : i32 to vector<1024x1xi32>
    %sign3A_112 = arith.andi %sign3A, %sign3A_111 : vector<1024x1xi32>
    %sign3A_113 = arith.constant 1065353216 : i32
    %sign3A_114 = vector.broadcast %sign3A_113 : i32 to vector<1024x1xi32>
    %sign3A_115 = arith.ori %sign3A_114, %sign3A_112 : vector<1024x1xi32>
    %sign3A_116 = tpu.bitcast %sign3A_115 : vector<1024x1xi32> -> vector<1024x1xf32>
    %sign3A_117 = math.absf %broadcast_in_dim3A_109 : vector<1024x1xf32>
    %sign3A_118 = arith.constant 0.000000e+00 : f32
    %sign3A_119 = vector.broadcast %sign3A_118 : f32 to vector<1024x1xf32>
    %sign3A_120 = arith.cmpf ogt, %sign3A_117, %sign3A_119 : vector<1024x1xf32>
    %sign3A_121 = arith.select %sign3A_120, %sign3A_116, %broadcast_in_dim3A_109 : vector<1024x1xi1>, vector<1024x1xf32>
    %mul3A_122 = arith.mulf %min3A_105, %min3A_105 : vector<1024x1xf32>
    %sub3A_123 = arith.constant 1.000000e+00 : f32
    %sub3A_124 = vector.broadcast %sub3A_123 : f32 to vector<1024x1xf32>
    %sub3A_125 = arith.subf %sub3A_124, %mul3A_122 : vector<1024x1xf32>
    %sqrt3A_126 = math.sqrt %sub3A_125 : vector<1024x1xf32>
    %mul3A_127 = arith.mulf %sign3A_121, %sqrt3A_126 : vector<1024x1xf32>
    %slice3A_128 = vector.extract_strided_slice %div3A_17 {offsets = [0, 0], sizes = [1024, 1], strides = [1, 1]} : vector<1024x3xf32> to vector<1024x1xf32>
    %slice3A_129 = vector.extract_strided_slice %div3A_17 {offsets = [0, 1], sizes = [1024, 1], strides = [1, 1]} : vector<1024x3xf32> to vector<1024x1xf32>
    %slice3A_130 = vector.extract_strided_slice %div3A_17 {offsets = [0, 2], sizes = [1024, 1], strides = [1, 1]} : vector<1024x3xf32> to vector<1024x1xf32>
    %slice3A_131 = vector.extract_strided_slice %div3A_28 {offsets = [0, 0], sizes = [1024, 1], strides = [1, 1]} : vector<1024x3xf32> to vector<1024x1xf32>
    %slice3A_132 = vector.extract_strided_slice %div3A_28 {offsets = [0, 1], sizes = [1024, 1], strides = [1, 1]} : vector<1024x3xf32> to vector<1024x1xf32>
    %slice3A_133 = vector.extract_strided_slice %div3A_28 {offsets = [0, 2], sizes = [1024, 1], strides = [1, 1]} : vector<1024x3xf32> to vector<1024x1xf32>
    %mul3A_134 = arith.mulf %slice3A_129, %slice3A_133 : vector<1024x1xf32>
    %mul3A_135 = arith.mulf %slice3A_130, %slice3A_132 : vector<1024x1xf32>
    %sub3A_136 = arith.subf %mul3A_134, %mul3A_135 : vector<1024x1xf32>
    %mul3A_137 = arith.mulf %slice3A_130, %slice3A_131 : vector<1024x1xf32>
    %mul3A_138 = arith.mulf %slice3A_128, %slice3A_133 : vector<1024x1xf32>
    %sub3A_139 = arith.subf %mul3A_137, %mul3A_138 : vector<1024x1xf32>
    %mul3A_140 = arith.mulf %slice3A_128, %slice3A_132 : vector<1024x1xf32>
    %mul3A_141 = arith.mulf %slice3A_129, %slice3A_131 : vector<1024x1xf32>
    %sub3A_142 = arith.subf %mul3A_140, %mul3A_141 : vector<1024x1xf32>
    %concatenate3A_143 = tpu.concatenate %sub3A_136, %sub3A_139, %sub3A_142 in 1 : vector<1024x1xf32>, vector<1024x1xf32>, vector<1024x1xf32> -> vector<1024x3xf32>
    %mul3A_144 = arith.mulf %concatenate3A_143, %concatenate3A_143 : vector<1024x3xf32>
    %reduce_sum3A_145 = arith.constant dense<0.000000e+00> : vector<1024xf32>
    %reduce_sum3A_146 = vector.multi_reduction <add>, %mul3A_144, %reduce_sum3A_145 [1] : vector<1024x3xf32> to vector<1024xf32>
    %broadcast_in_dim3A_147 = vector.shape_cast %reduce_sum3A_146 : vector<1024xf32> to vector<1024x1xf32>
    %sqrt3A_148 = math.sqrt %broadcast_in_dim3A_147 : vector<1024x1xf32>
    %max3A_149 = arith.constant 9.99999996E-13 : f32
    %max3A_150 = vector.broadcast %max3A_149 : f32 to vector<1024x1xf32>
    %max3A_151 = arith.maximumf %sqrt3A_148, %max3A_150 : vector<1024x1xf32>
    %div3A_152 = vector.broadcast %max3A_151 : vector<1024x1xf32> to vector<1024x3xf32>
    %div3A_153 = arith.divf %concatenate3A_143, %div3A_152 : vector<1024x3xf32>
    %slice3A_154 = vector.extract_strided_slice %div3A_28 {offsets = [0, 0], sizes = [1024, 1], strides = [1, 1]} : vector<1024x3xf32> to vector<1024x1xf32>
    %slice3A_155 = vector.extract_strided_slice %div3A_28 {offsets = [0, 1], sizes = [1024, 1], strides = [1, 1]} : vector<1024x3xf32> to vector<1024x1xf32>
    %slice3A_156 = vector.extract_strided_slice %div3A_28 {offsets = [0, 2], sizes = [1024, 1], strides = [1, 1]} : vector<1024x3xf32> to vector<1024x1xf32>
    %slice3A_157 = vector.extract_strided_slice %div3A_41 {offsets = [0, 0], sizes = [1024, 1], strides = [1, 1]} : vector<1024x3xf32> to vector<1024x1xf32>
    %slice3A_158 = vector.extract_strided_slice %div3A_41 {offsets = [0, 1], sizes = [1024, 1], strides = [1, 1]} : vector<1024x3xf32> to vector<1024x1xf32>
    %slice3A_159 = vector.extract_strided_slice %div3A_41 {offsets = [0, 2], sizes = [1024, 1], strides = [1, 1]} : vector<1024x3xf32> to vector<1024x1xf32>
    %mul3A_160 = arith.mulf %slice3A_155, %slice3A_159 : vector<1024x1xf32>
    %mul3A_161 = arith.mulf %slice3A_156, %slice3A_158 : vector<1024x1xf32>
    %sub3A_162 = arith.subf %mul3A_160, %mul3A_161 : vector<1024x1xf32>
    %mul3A_163 = arith.mulf %slice3A_156, %slice3A_157 : vector<1024x1xf32>
    %mul3A_164 = arith.mulf %slice3A_154, %slice3A_159 : vector<1024x1xf32>
    %sub3A_165 = arith.subf %mul3A_163, %mul3A_164 : vector<1024x1xf32>
    %mul3A_166 = arith.mulf %slice3A_154, %slice3A_158 : vector<1024x1xf32>
    %mul3A_167 = arith.mulf %slice3A_155, %slice3A_157 : vector<1024x1xf32>
    %sub3A_168 = arith.subf %mul3A_166, %mul3A_167 : vector<1024x1xf32>
    %concatenate3A_169 = tpu.concatenate %sub3A_162, %sub3A_165, %sub3A_168 in 1 : vector<1024x1xf32>, vector<1024x1xf32>, vector<1024x1xf32> -> vector<1024x3xf32>
    %mul3A_170 = arith.mulf %concatenate3A_169, %concatenate3A_169 : vector<1024x3xf32>
    %reduce_sum3A_171 = arith.constant dense<0.000000e+00> : vector<1024xf32>
    %reduce_sum3A_172 = vector.multi_reduction <add>, %mul3A_170, %reduce_sum3A_171 [1] : vector<1024x3xf32> to vector<1024xf32>
    %broadcast_in_dim3A_173 = vector.shape_cast %reduce_sum3A_172 : vector<1024xf32> to vector<1024x1xf32>
    %sqrt3A_174 = math.sqrt %broadcast_in_dim3A_173 : vector<1024x1xf32>
    %max3A_175 = arith.constant 9.99999996E-13 : f32
    %max3A_176 = vector.broadcast %max3A_175 : f32 to vector<1024x1xf32>
    %max3A_177 = arith.maximumf %sqrt3A_174, %max3A_176 : vector<1024x1xf32>
    %div3A_178 = vector.broadcast %max3A_177 : vector<1024x1xf32> to vector<1024x3xf32>
    %div3A_179 = arith.divf %concatenate3A_169, %div3A_178 : vector<1024x3xf32>
    %mul3A_180 = arith.mulf %div3A_153, %div3A_179 : vector<1024x3xf32>
    %reduce_sum3A_181 = arith.constant dense<0.000000e+00> : vector<1024xf32>
    %reduce_sum3A_182 = vector.multi_reduction <add>, %mul3A_180, %reduce_sum3A_181 [1] : vector<1024x3xf32> to vector<1024xf32>
    %broadcast_in_dim3A_183 = vector.shape_cast %reduce_sum3A_182 : vector<1024xf32> to vector<1024x1xf32>
    %jit3A_184 = arith.constant -0.99999988 : f32
    %jit3A_185 = arith.constant 0.99999988 : f32
    %max3A_186 = vector.broadcast %jit3A_184 : f32 to vector<1024x1xf32>
    %max3A_187 = arith.maximumf %max3A_186, %broadcast_in_dim3A_183 : vector<1024x1xf32>
    %min3A_188 = vector.broadcast %jit3A_185 : f32 to vector<1024x1xf32>
    %min3A_189 = arith.minimumf %min3A_188, %max3A_187 : vector<1024x1xf32>
    %mul3A_190 = arith.mulf %div3A_17, %div3A_179 : vector<1024x3xf32>
    %reduce_sum3A_191 = arith.constant dense<0.000000e+00> : vector<1024xf32>
    %reduce_sum3A_192 = vector.multi_reduction <add>, %mul3A_190, %reduce_sum3A_191 [1] : vector<1024x3xf32> to vector<1024xf32>
    %broadcast_in_dim3A_193 = vector.shape_cast %reduce_sum3A_192 : vector<1024xf32> to vector<1024x1xf32>
    %sign3A_194 = tpu.bitcast %broadcast_in_dim3A_193 : vector<1024x1xf32> -> vector<1024x1xi32>
    %sign3A_195 = arith.constant -2147483648 : i32
    %sign3A_196 = vector.broadcast %sign3A_195 : i32 to vector<1024x1xi32>
    %sign3A_197 = arith.andi %sign3A_194, %sign3A_196 : vector<1024x1xi32>
    %sign3A_198 = arith.constant 1065353216 : i32
    %sign3A_199 = vector.broadcast %sign3A_198 : i32 to vector<1024x1xi32>
    %sign3A_200 = arith.ori %sign3A_199, %sign3A_197 : vector<1024x1xi32>
    %sign3A_201 = tpu.bitcast %sign3A_200 : vector<1024x1xi32> -> vector<1024x1xf32>
    %sign3A_202 = math.absf %broadcast_in_dim3A_193 : vector<1024x1xf32>
    %sign3A_203 = arith.constant 0.000000e+00 : f32
    %sign3A_204 = vector.broadcast %sign3A_203 : f32 to vector<1024x1xf32>
    %sign3A_205 = arith.cmpf ogt, %sign3A_202, %sign3A_204 : vector<1024x1xf32>
    %sign3A_206 = arith.select %sign3A_205, %sign3A_201, %broadcast_in_dim3A_193 : vector<1024x1xi1>, vector<1024x1xf32>
    %mul3A_207 = arith.mulf %min3A_189, %min3A_189 : vector<1024x1xf32>
    %sub3A_208 = arith.constant 1.000000e+00 : f32
    %sub3A_209 = vector.broadcast %sub3A_208 : f32 to vector<1024x1xf32>
    %sub3A_210 = arith.subf %sub3A_209, %mul3A_207 : vector<1024x1xf32>
    %sqrt3A_211 = math.sqrt %sub3A_210 : vector<1024x1xf32>
    %mul3A_212 = arith.mulf %sign3A_206, %sqrt3A_211 : vector<1024x1xf32>
    %broadcast_in_dim3A_213 = arith.constant 0.000000e+00 : f32
    %broadcast_in_dim3A_214 = vector.broadcast %broadcast_in_dim3A_213 : f32 to vector<1x3xf32>
    %slice3A_215 = vector.extract_strided_slice %div3A_17 {offsets = [1, 0], sizes = [1023, 3], strides = [1, 1]} : vector<1024x3xf32> to vector<1023x3xf32>
    %concatenate3A_216 = tpu.concatenate %slice3A_215, %broadcast_in_dim3A_214 in 0 : vector<1023x3xf32>, vector<1x3xf32> -> vector<1024x3xf32>
    %slice3A_217 = vector.extract_strided_slice %div3A_28 {offsets = [0, 0], sizes = [1024, 1], strides = [1, 1]} : vector<1024x3xf32> to vector<1024x1xf32>
    %slice3A_218 = vector.extract_strided_slice %div3A_28 {offsets = [0, 1], sizes = [1024, 1], strides = [1, 1]} : vector<1024x3xf32> to vector<1024x1xf32>
    %slice3A_219 = vector.extract_strided_slice %div3A_28 {offsets = [0, 2], sizes = [1024, 1], strides = [1, 1]} : vector<1024x3xf32> to vector<1024x1xf32>
    %slice3A_220 = vector.extract_strided_slice %div3A_41 {offsets = [0, 0], sizes = [1024, 1], strides = [1, 1]} : vector<1024x3xf32> to vector<1024x1xf32>
    %slice3A_221 = vector.extract_strided_slice %div3A_41 {offsets = [0, 1], sizes = [1024, 1], strides = [1, 1]} : vector<1024x3xf32> to vector<1024x1xf32>
    %slice3A_222 = vector.extract_strided_slice %div3A_41 {offsets = [0, 2], sizes = [1024, 1], strides = [1, 1]} : vector<1024x3xf32> to vector<1024x1xf32>
    %mul3A_223 = arith.mulf %slice3A_218, %slice3A_222 : vector<1024x1xf32>
    %mul3A_224 = arith.mulf %slice3A_219, %slice3A_221 : vector<1024x1xf32>
    %sub3A_225 = arith.subf %mul3A_223, %mul3A_224 : vector<1024x1xf32>
    %mul3A_226 = arith.mulf %slice3A_219, %slice3A_220 : vector<1024x1xf32>
    %mul3A_227 = arith.mulf %slice3A_217, %slice3A_222 : vector<1024x1xf32>
    %sub3A_228 = arith.subf %mul3A_226, %mul3A_227 : vector<1024x1xf32>
    %mul3A_229 = arith.mulf %slice3A_217, %slice3A_221 : vector<1024x1xf32>
    %mul3A_230 = arith.mulf %slice3A_218, %slice3A_220 : vector<1024x1xf32>
    %sub3A_231 = arith.subf %mul3A_229, %mul3A_230 : vector<1024x1xf32>
    %concatenate3A_232 = tpu.concatenate %sub3A_225, %sub3A_228, %sub3A_231 in 1 : vector<1024x1xf32>, vector<1024x1xf32>, vector<1024x1xf32> -> vector<1024x3xf32>
    %mul3A_233 = arith.mulf %concatenate3A_232, %concatenate3A_232 : vector<1024x3xf32>
    %reduce_sum3A_234 = arith.constant dense<0.000000e+00> : vector<1024xf32>
    %reduce_sum3A_235 = vector.multi_reduction <add>, %mul3A_233, %reduce_sum3A_234 [1] : vector<1024x3xf32> to vector<1024xf32>
    %broadcast_in_dim3A_236 = vector.shape_cast %reduce_sum3A_235 : vector<1024xf32> to vector<1024x1xf32>
    %sqrt3A_237 = math.sqrt %broadcast_in_dim3A_236 : vector<1024x1xf32>
    %max3A_238 = arith.constant 9.99999996E-13 : f32
    %max3A_239 = vector.broadcast %max3A_238 : f32 to vector<1024x1xf32>
    %max3A_240 = arith.maximumf %sqrt3A_237, %max3A_239 : vector<1024x1xf32>
    %div3A_241 = vector.broadcast %max3A_240 : vector<1024x1xf32> to vector<1024x3xf32>
    %div3A_242 = arith.divf %concatenate3A_232, %div3A_241 : vector<1024x3xf32>
    %slice3A_243 = vector.extract_strided_slice %div3A_41 {offsets = [0, 0], sizes = [1024, 1], strides = [1, 1]} : vector<1024x3xf32> to vector<1024x1xf32>
    %slice3A_244 = vector.extract_strided_slice %div3A_41 {offsets = [0, 1], sizes = [1024, 1], strides = [1, 1]} : vector<1024x3xf32> to vector<1024x1xf32>
    %slice3A_245 = vector.extract_strided_slice %div3A_41 {offsets = [0, 2], sizes = [1024, 1], strides = [1, 1]} : vector<1024x3xf32> to vector<1024x1xf32>
    %slice3A_246 = vector.extract_strided_slice %concatenate3A_216 {offsets = [0, 0], sizes = [1024, 1], strides = [1, 1]} : vector<1024x3xf32> to vector<1024x1xf32>
    %slice3A_247 = vector.extract_strided_slice %concatenate3A_216 {offsets = [0, 1], sizes = [1024, 1], strides = [1, 1]} : vector<1024x3xf32> to vector<1024x1xf32>
    %slice3A_248 = vector.extract_strided_slice %concatenate3A_216 {offsets = [0, 2], sizes = [1024, 1], strides = [1, 1]} : vector<1024x3xf32> to vector<1024x1xf32>
    %mul3A_249 = arith.mulf %slice3A_244, %slice3A_248 : vector<1024x1xf32>
    %mul3A_250 = arith.mulf %slice3A_245, %slice3A_247 : vector<1024x1xf32>
    %sub3A_251 = arith.subf %mul3A_249, %mul3A_250 : vector<1024x1xf32>
    %mul3A_252 = arith.mulf %slice3A_245, %slice3A_246 : vector<1024x1xf32>
    %mul3A_253 = arith.mulf %slice3A_243, %slice3A_248 : vector<1024x1xf32>
    %sub3A_254 = arith.subf %mul3A_252, %mul3A_253 : vector<1024x1xf32>
    %mul3A_255 = arith.mulf %slice3A_243, %slice3A_247 : vector<1024x1xf32>
    %mul3A_256 = arith.mulf %slice3A_244, %slice3A_246 : vector<1024x1xf32>
    %sub3A_257 = arith.subf %mul3A_255, %mul3A_256 : vector<1024x1xf32>
    %concatenate3A_258 = tpu.concatenate %sub3A_251, %sub3A_254, %sub3A_257 in 1 : vector<1024x1xf32>, vector<1024x1xf32>, vector<1024x1xf32> -> vector<1024x3xf32>
    %mul3A_259 = arith.mulf %concatenate3A_258, %concatenate3A_258 : vector<1024x3xf32>
    %reduce_sum3A_260 = arith.constant dense<0.000000e+00> : vector<1024xf32>
    %reduce_sum3A_261 = vector.multi_reduction <add>, %mul3A_259, %reduce_sum3A_260 [1] : vector<1024x3xf32> to vector<1024xf32>
    %broadcast_in_dim3A_262 = vector.shape_cast %reduce_sum3A_261 : vector<1024xf32> to vector<1024x1xf32>
    %sqrt3A_263 = math.sqrt %broadcast_in_dim3A_262 : vector<1024x1xf32>
    %max3A_264 = arith.constant 9.99999996E-13 : f32
    %max3A_265 = vector.broadcast %max3A_264 : f32 to vector<1024x1xf32>
    %max3A_266 = arith.maximumf %sqrt3A_263, %max3A_265 : vector<1024x1xf32>
    %div3A_267 = vector.broadcast %max3A_266 : vector<1024x1xf32> to vector<1024x3xf32>
    %div3A_268 = arith.divf %concatenate3A_258, %div3A_267 : vector<1024x3xf32>
    %mul3A_269 = arith.mulf %div3A_242, %div3A_268 : vector<1024x3xf32>
    %reduce_sum3A_270 = arith.constant dense<0.000000e+00> : vector<1024xf32>
    %reduce_sum3A_271 = vector.multi_reduction <add>, %mul3A_269, %reduce_sum3A_270 [1] : vector<1024x3xf32> to vector<1024xf32>
    %broadcast_in_dim3A_272 = vector.shape_cast %reduce_sum3A_271 : vector<1024xf32> to vector<1024x1xf32>
    %jit3A_273 = arith.constant -0.99999988 : f32
    %jit3A_274 = arith.constant 0.99999988 : f32
    %max3A_275 = vector.broadcast %jit3A_273 : f32 to vector<1024x1xf32>
    %max3A_276 = arith.maximumf %max3A_275, %broadcast_in_dim3A_272 : vector<1024x1xf32>
    %min3A_277 = vector.broadcast %jit3A_274 : f32 to vector<1024x1xf32>
    %min3A_278 = arith.minimumf %min3A_277, %max3A_276 : vector<1024x1xf32>
    %mul3A_279 = arith.mulf %div3A_28, %div3A_268 : vector<1024x3xf32>
    %reduce_sum3A_280 = arith.constant dense<0.000000e+00> : vector<1024xf32>
    %reduce_sum3A_281 = vector.multi_reduction <add>, %mul3A_279, %reduce_sum3A_280 [1] : vector<1024x3xf32> to vector<1024xf32>
    %broadcast_in_dim3A_282 = vector.shape_cast %reduce_sum3A_281 : vector<1024xf32> to vector<1024x1xf32>
    %sign3A_283 = tpu.bitcast %broadcast_in_dim3A_282 : vector<1024x1xf32> -> vector<1024x1xi32>
    %sign3A_284 = arith.constant -2147483648 : i32
    %sign3A_285 = vector.broadcast %sign3A_284 : i32 to vector<1024x1xi32>
    %sign3A_286 = arith.andi %sign3A_283, %sign3A_285 : vector<1024x1xi32>
    %sign3A_287 = arith.constant 1065353216 : i32
    %sign3A_288 = vector.broadcast %sign3A_287 : i32 to vector<1024x1xi32>
    %sign3A_289 = arith.ori %sign3A_288, %sign3A_286 : vector<1024x1xi32>
    %sign3A_290 = tpu.bitcast %sign3A_289 : vector<1024x1xi32> -> vector<1024x1xf32>
    %sign3A_291 = math.absf %broadcast_in_dim3A_282 : vector<1024x1xf32>
    %sign3A_292 = arith.constant 0.000000e+00 : f32
    %sign3A_293 = vector.broadcast %sign3A_292 : f32 to vector<1024x1xf32>
    %sign3A_294 = arith.cmpf ogt, %sign3A_291, %sign3A_293 : vector<1024x1xf32>
    %sign3A_295 = arith.select %sign3A_294, %sign3A_290, %broadcast_in_dim3A_282 : vector<1024x1xi1>, vector<1024x1xf32>
    %mul3A_296 = arith.mulf %min3A_278, %min3A_278 : vector<1024x1xf32>
    %sub3A_297 = arith.constant 1.000000e+00 : f32
    %sub3A_298 = vector.broadcast %sub3A_297 : f32 to vector<1024x1xf32>
    %sub3A_299 = arith.subf %sub3A_298, %mul3A_296 : vector<1024x1xf32>
    %sqrt3A_300 = math.sqrt %sub3A_299 : vector<1024x1xf32>
    %mul3A_301 = arith.mulf %sign3A_295, %sqrt3A_300 : vector<1024x1xf32>
    %broadcast_in_dim3A_302 = arith.constant 1.000000e+00 : f32
    %broadcast_in_dim3A_303 = vector.broadcast %broadcast_in_dim3A_302 : f32 to vector<1024x1xf32>
    %broadcast_in_dim3A_304 = arith.constant 0.000000e+00 : f32
    %broadcast_in_dim3A_305 = vector.broadcast %broadcast_in_dim3A_304 : f32 to vector<1024x1xf32>
    %ge3A = arith.constant 1 : i32
    %ge3A_306 = vector.broadcast %ge3A : i32 to vector<1024x1xi32>
    %ge3A_307 = arith.cmpi sge, %iota3A, %ge3A_306 : vector<1024x1xi32>
    %le3A = arith.constant 1022 : i32
    %le3A_308 = vector.broadcast %le3A : i32 to vector<1024x1xi32>
    %le3A_309 = arith.cmpi sle, %iota3A, %le3A_308 : vector<1024x1xi32>
    %select_n3A = arith.select %ge3A_307, %min3A_105, %broadcast_in_dim3A_303 : vector<1024x1xi1>, vector<1024x1xf32>
    %select_n3A_310 = arith.select %le3A_309, %min3A_189, %broadcast_in_dim3A_303 : vector<1024x1xi1>, vector<1024x1xf32>
    %select_n3A_311 = arith.select %le3A_309, %min3A_278, %broadcast_in_dim3A_303 : vector<1024x1xi1>, vector<1024x1xf32>
    %select_n3A_312 = arith.select %ge3A_307, %mul3A_127, %broadcast_in_dim3A_305 : vector<1024x1xi1>, vector<1024x1xf32>
    %select_n3A_313 = arith.select %le3A_309, %mul3A_212, %broadcast_in_dim3A_305 : vector<1024x1xi1>, vector<1024x1xf32>
    %select_n3A_314 = arith.select %le3A_309, %mul3A_301, %broadcast_in_dim3A_305 : vector<1024x1xi1>, vector<1024x1xf32>
    %concatenate3A_315 = tpu.concatenate %select_n3A, %select_n3A_310, %select_n3A_311, %select_n3A_312, %select_n3A_313, %select_n3A_314 in 1 : vector<1024x1xf32>, vector<1024x1xf32>, vector<1024x1xf32>, vector<1024x1xf32>, vector<1024x1xf32>, vector<1024x1xf32> -> vector<1024x6xf32>
    %get3A_316 = arith.constant 0 : index
    %get3A_317 = arith.constant 0 : index
    %get3A_318 = vector.load %arg4[%get3A_316, %get3A_317] : memref<6x128xf32, #tpu.memory_space<vmem>>, vector<6x128xf32>
    %dot_general3A = arith.constant dense<0.000000e+00> : vector<1024x128xf32>
    %dot_general3A_319 = tpu.matmul %concatenate3A_315, %get3A_318, %dot_general3A {dimension_numbers = #tpu.dot_dimension_numbers<[1], [0], [0], [1], [0, 0, 1, 1], [], []>, precision = #tpu.contract_precision<fp32>, transpose_lhs_hint = false} : vector<1024x6xf32>, vector<6x128xf32>, vector<1024x128xf32> -> vector<1024x128xf32>
    %get3A_320 = arith.constant 0 : index
    %get3A_321 = arith.constant 0 : index
    %get3A_322 = vector.load %arg5[%get3A_320, %get3A_321] : memref<1x128xf32, #tpu.memory_space<vmem>>, vector<1x128xf32>
    %add3A = vector.broadcast %get3A_322 : vector<1x128xf32> to vector<1024x128xf32>
    %add3A_323 = arith.addf %dot_general3A_319, %add3A : vector<1024x128xf32>
    %get3A_324 = arith.constant 0 : index
    %get3A_325 = arith.constant 0 : index
    %get3A_326 = vector.load %arg6[%get3A_324, %get3A_325] : memref<128x128xf32, #tpu.memory_space<vmem>>, vector<128x128xf32>
    %dot_general3A_327 = arith.constant dense<0.000000e+00> : vector<1024x128xf32>
    %dot_general3A_328 = tpu.matmul %add3A_323, %get3A_326, %dot_general3A_327 {dimension_numbers = #tpu.dot_dimension_numbers<[1], [0], [0], [1], [0, 0, 1, 1], [], []>, precision = #tpu.contract_precision<fp32>, transpose_lhs_hint = false} : vector<1024x128xf32>, vector<128x128xf32>, vector<1024x128xf32> -> vector<1024x128xf32>
    %get3A_329 = arith.constant 0 : index
    %get3A_330 = arith.constant 0 : index
    %get3A_331 = vector.load %arg7[%get3A_329, %get3A_330] : memref<1x128xf32, #tpu.memory_space<vmem>>, vector<1x128xf32>
    %add3A_332 = vector.broadcast %get3A_331 : vector<1x128xf32> to vector<1024x128xf32>
    %add3A_333 = arith.addf %dot_general3A_328, %add3A_332 : vector<1024x128xf32>
    %reduce_sum3A_334 = arith.constant dense<0.000000e+00> : vector<1024xf32>
    %reduce_sum3A_335 = vector.multi_reduction <add>, %add3A_333, %reduce_sum3A_334 [1] : vector<1024x128xf32> to vector<1024xf32>
    %broadcast_in_dim3A_336 = vector.shape_cast %reduce_sum3A_335 : vector<1024xf32> to vector<1024x1xf32>
    %div3A_337 = arith.constant 1.280000e+02 : f32
    %div3A_338 = vector.broadcast %div3A_337 : f32 to vector<1024x1xf32>
    %div3A_339 = arith.divf %broadcast_in_dim3A_336, %div3A_338 : vector<1024x1xf32>
    %sub3A_340 = vector.broadcast %div3A_339 : vector<1024x1xf32> to vector<1024x128xf32>
    %sub3A_341 = arith.subf %add3A_333, %sub3A_340 : vector<1024x128xf32>
    %integer_pow3A = arith.mulf %sub3A_341, %sub3A_341 : vector<1024x128xf32>
    %reduce_sum3A_342 = arith.constant dense<0.000000e+00> : vector<1024xf32>
    %reduce_sum3A_343 = vector.multi_reduction <add>, %integer_pow3A, %reduce_sum3A_342 [1] : vector<1024x128xf32> to vector<1024xf32>
    %broadcast_in_dim3A_344 = vector.shape_cast %reduce_sum3A_343 : vector<1024xf32> to vector<1024x1xf32>
    %div3A_345 = arith.constant 1.280000e+02 : f32
    %div3A_346 = vector.broadcast %div3A_345 : f32 to vector<1024x1xf32>
    %div3A_347 = arith.divf %broadcast_in_dim3A_344, %div3A_346 : vector<1024x1xf32>
    %sub3A_348 = vector.broadcast %div3A_339 : vector<1024x1xf32> to vector<1024x128xf32>
    %sub3A_349 = arith.subf %add3A_333, %sub3A_348 : vector<1024x128xf32>
    %add3A_350 = arith.constant 9.99999974E-6 : f32
    %add3A_351 = vector.broadcast %add3A_350 : f32 to vector<1024x1xf32>
    %add3A_352 = arith.addf %div3A_347, %add3A_351 : vector<1024x1xf32>
    %sqrt3A_353 = math.sqrt %add3A_352 : vector<1024x1xf32>
    %div3A_354 = vector.broadcast %sqrt3A_353 : vector<1024x1xf32> to vector<1024x128xf32>
    %div3A_355 = arith.divf %sub3A_349, %div3A_354 : vector<1024x128xf32>
    %get3A_356 = arith.constant 0 : index
    %get3A_357 = arith.constant 0 : index
    %get3A_358 = vector.load %arg8[%get3A_356, %get3A_357] : memref<1x128xf32, #tpu.memory_space<vmem>>, vector<1x128xf32>
    %mul3A_359 = vector.broadcast %get3A_358 : vector<1x128xf32> to vector<1024x128xf32>
    %mul3A_360 = arith.mulf %div3A_355, %mul3A_359 : vector<1024x128xf32>
    %get3A_361 = arith.constant 0 : index
    %get3A_362 = arith.constant 0 : index
    %get3A_363 = vector.load %arg9[%get3A_361, %get3A_362] : memref<1x128xf32, #tpu.memory_space<vmem>>, vector<1x128xf32>
    %add3A_364 = vector.broadcast %get3A_363 : vector<1x128xf32> to vector<1024x128xf32>
    %add3A_365 = arith.addf %mul3A_360, %add3A_364 : vector<1024x128xf32>
    %swap3A = arith.constant 0 : index
    %swap3A_366 = arith.constant 0 : index
    %swap3A_367 = arith.constant 0 : index
    %swap3A_368 = vector.load %arg10[%swap3A, %swap3A_366, %swap3A_367] : memref<1x1024x128xf32, #tpu.memory_space<vmem>>, vector<1x1024x128xf32>
    %swap3A_369 = vector.shape_cast %swap3A_368 : vector<1x1024x128xf32> to vector<1024x128xf32>
    %swap3A_370 = vector.shape_cast %add3A_365 : vector<1024x128xf32> to vector<1x1024x128xf32>
    tpu.vector_store %arg10[%swap3A, %swap3A_366, %swap3A_367], %swap3A_370 {strides = array<i32>} : memref<1x1024x128xf32, #tpu.memory_space<vmem>>, vector<1x1024x128xf32>,
    %broadcast_in_dim3A_371 = arith.constant 0.000000e+00 : f32
    %broadcast_in_dim3A_372 = vector.broadcast %broadcast_in_dim3A_371 : f32 to vector<1x3xf32>
    %slice3A_373 = vector.extract_strided_slice %get3A_8 {offsets = [1, 0], sizes = [1023, 3], strides = [1, 1]} : vector<1024x3xf32> to vector<1023x3xf32>
    %concatenate3A_374 = tpu.concatenate %slice3A_373, %broadcast_in_dim3A_372 in 0 : vector<1023x3xf32>, vector<1x3xf32> -> vector<1024x3xf32>
    %sub3A_375 = arith.subf %concatenate3A_374, %get3A_8 : vector<1024x3xf32>
    %mul3A_376 = arith.mulf %sub3A_375, %sub3A_375 : vector<1024x3xf32>
    %reduce_sum3A_377 = arith.constant dense<0.000000e+00> : vector<1024xf32>
    %reduce_sum3A_378 = vector.multi_reduction <add>, %mul3A_376, %reduce_sum3A_377 [1] : vector<1024x3xf32> to vector<1024xf32>
    %broadcast_in_dim3A_379 = vector.shape_cast %reduce_sum3A_378 : vector<1024xf32> to vector<1024x1xf32>
    %sqrt3A_380 = math.sqrt %broadcast_in_dim3A_379 : vector<1024x1xf32>
    %max3A_381 = arith.constant 9.99999996E-13 : f32
    %max3A_382 = vector.broadcast %max3A_381 : f32 to vector<1024x1xf32>
    %max3A_383 = arith.maximumf %sqrt3A_380, %max3A_382 : vector<1024x1xf32>
    %div3A_384 = vector.broadcast %max3A_383 : vector<1024x1xf32> to vector<1024x3xf32>
    %div3A_385 = arith.divf %sub3A_375, %div3A_384 : vector<1024x3xf32>
    %broadcast_in_dim3A_386 = arith.constant 0.000000e+00 : f32
    %broadcast_in_dim3A_387 = vector.broadcast %broadcast_in_dim3A_386 : f32 to vector<1x3xf32>
    %slice3A_388 = vector.extract_strided_slice %div3A_385 {offsets = [0, 0], sizes = [1023, 3], strides = [1, 1]} : vector<1024x3xf32> to vector<1023x3xf32>
    %concatenate3A_389 = tpu.concatenate %broadcast_in_dim3A_387, %slice3A_388 in 0 : vector<1x3xf32>, vector<1023x3xf32> -> vector<1024x3xf32>
    %sub3A_390 = arith.subf %concatenate3A_389, %div3A_385 : vector<1024x3xf32>
    %mul3A_391 = arith.mulf %sub3A_390, %sub3A_390 : vector<1024x3xf32>
    %reduce_sum3A_392 = arith.constant dense<0.000000e+00> : vector<1024xf32>
    %reduce_sum3A_393 = vector.multi_reduction <add>, %mul3A_391, %reduce_sum3A_392 [1] : vector<1024x3xf32> to vector<1024xf32>
    %broadcast_in_dim3A_394 = vector.shape_cast %reduce_sum3A_393 : vector<1024xf32> to vector<1024x1xf32>
    %sqrt3A_395 = math.sqrt %broadcast_in_dim3A_394 : vector<1024x1xf32>
    %max3A_396 = arith.constant 9.99999996E-13 : f32
    %max3A_397 = vector.broadcast %max3A_396 : f32 to vector<1024x1xf32>
    %max3A_398 = arith.maximumf %sqrt3A_395, %max3A_397 : vector<1024x1xf32>
    %div3A_399 = vector.broadcast %max3A_398 : vector<1024x1xf32> to vector<1024x3xf32>
    %div3A_400 = arith.divf %sub3A_390, %div3A_399 : vector<1024x3xf32>
    %slice3A_401 = vector.extract_strided_slice %concatenate3A_389 {offsets = [0, 0], sizes = [1024, 1], strides = [1, 1]} : vector<1024x3xf32> to vector<1024x1xf32>
    %slice3A_402 = vector.extract_strided_slice %concatenate3A_389 {offsets = [0, 1], sizes = [1024, 1], strides = [1, 1]} : vector<1024x3xf32> to vector<1024x1xf32>
    %slice3A_403 = vector.extract_strided_slice %concatenate3A_389 {offsets = [0, 2], sizes = [1024, 1], strides = [1, 1]} : vector<1024x3xf32> to vector<1024x1xf32>
    %slice3A_404 = vector.extract_strided_slice %div3A_385 {offsets = [0, 0], sizes = [1024, 1], strides = [1, 1]} : vector<1024x3xf32> to vector<1024x1xf32>
    %slice3A_405 = vector.extract_strided_slice %div3A_385 {offsets = [0, 1], sizes = [1024, 1], strides = [1, 1]} : vector<1024x3xf32> to vector<1024x1xf32>
    %slice3A_406 = vector.extract_strided_slice %div3A_385 {offsets = [0, 2], sizes = [1024, 1], strides = [1, 1]} : vector<1024x3xf32> to vector<1024x1xf32>
    %mul3A_407 = arith.mulf %slice3A_402, %slice3A_406 : vector<1024x1xf32>
    %mul3A_408 = arith.mulf %slice3A_403, %slice3A_405 : vector<1024x1xf32>
    %sub3A_409 = arith.subf %mul3A_407, %mul3A_408 : vector<1024x1xf32>
    %mul3A_410 = arith.mulf %slice3A_403, %slice3A_404 : vector<1024x1xf32>
    %mul3A_411 = arith.mulf %slice3A_401, %slice3A_406 : vector<1024x1xf32>
    %sub3A_412 = arith.subf %mul3A_410, %mul3A_411 : vector<1024x1xf32>
    %mul3A_413 = arith.mulf %slice3A_401, %slice3A_405 : vector<1024x1xf32>
    %mul3A_414 = arith.mulf %slice3A_402, %slice3A_404 : vector<1024x1xf32>
    %sub3A_415 = arith.subf %mul3A_413, %mul3A_414 : vector<1024x1xf32>
    %concatenate3A_416 = tpu.concatenate %sub3A_409, %sub3A_412, %sub3A_415 in 1 : vector<1024x1xf32>, vector<1024x1xf32>, vector<1024x1xf32> -> vector<1024x3xf32>
    %mul3A_417 = arith.mulf %concatenate3A_416, %concatenate3A_416 : vector<1024x3xf32>
    %reduce_sum3A_418 = arith.constant dense<0.000000e+00> : vector<1024xf32>
    %reduce_sum3A_419 = vector.multi_reduction <add>, %mul3A_417, %reduce_sum3A_418 [1] : vector<1024x3xf32> to vector<1024xf32>
    %broadcast_in_dim3A_420 = vector.shape_cast %reduce_sum3A_419 : vector<1024xf32> to vector<1024x1xf32>
    %sqrt3A_421 = math.sqrt %broadcast_in_dim3A_420 : vector<1024x1xf32>
    %max3A_422 = arith.constant 9.99999996E-13 : f32
    %max3A_423 = vector.broadcast %max3A_422 : f32 to vector<1024x1xf32>
    %max3A_424 = arith.maximumf %sqrt3A_421, %max3A_423 : vector<1024x1xf32>
    %div3A_425 = vector.broadcast %max3A_424 : vector<1024x1xf32> to vector<1024x3xf32>
    %div3A_426 = arith.divf %concatenate3A_416, %div3A_425 : vector<1024x3xf32>
    %slice3A_427 = vector.extract_strided_slice %div3A_400 {offsets = [0, 0], sizes = [1024, 1], strides = [1, 1]} : vector<1024x3xf32> to vector<1024x1xf32>
    %slice3A_428 = vector.extract_strided_slice %div3A_400 {offsets = [0, 1], sizes = [1024, 1], strides = [1, 1]} : vector<1024x3xf32> to vector<1024x1xf32>
    %slice3A_429 = vector.extract_strided_slice %div3A_400 {offsets = [0, 2], sizes = [1024, 1], strides = [1, 1]} : vector<1024x3xf32> to vector<1024x1xf32>
    %slice3A_430 = vector.extract_strided_slice %div3A_426 {offsets = [0, 0], sizes = [1024, 1], strides = [1, 1]} : vector<1024x3xf32> to vector<1024x1xf32>
    %slice3A_431 = vector.extract_strided_slice %div3A_426 {offsets = [0, 1], sizes = [1024, 1], strides = [1, 1]} : vector<1024x3xf32> to vector<1024x1xf32>
    %slice3A_432 = vector.extract_strided_slice %div3A_426 {offsets = [0, 2], sizes = [1024, 1], strides = [1, 1]} : vector<1024x3xf32> to vector<1024x1xf32>
    %mul3A_433 = arith.mulf %slice3A_428, %slice3A_432 : vector<1024x1xf32>
    %mul3A_434 = arith.mulf %slice3A_429, %slice3A_431 : vector<1024x1xf32>
    %sub3A_435 = arith.subf %mul3A_433, %mul3A_434 : vector<1024x1xf32>
    %mul3A_436 = arith.mulf %slice3A_429, %slice3A_430 : vector<1024x1xf32>
    %mul3A_437 = arith.mulf %slice3A_427, %slice3A_432 : vector<1024x1xf32>
    %sub3A_438 = arith.subf %mul3A_436, %mul3A_437 : vector<1024x1xf32>
    %mul3A_439 = arith.mulf %slice3A_427, %slice3A_431 : vector<1024x1xf32>
    %mul3A_440 = arith.mulf %slice3A_428, %slice3A_430 : vector<1024x1xf32>
    %sub3A_441 = arith.subf %mul3A_439, %mul3A_440 : vector<1024x1xf32>
    %concatenate3A_442 = tpu.concatenate %sub3A_435, %sub3A_438, %sub3A_441 in 1 : vector<1024x1xf32>, vector<1024x1xf32>, vector<1024x1xf32> -> vector<1024x3xf32>
    %ge3A_443 = arith.constant 1 : i32
    %ge3A_444 = vector.broadcast %ge3A_443 : i32 to vector<1024x1xi32>
    %ge3A_445 = arith.cmpi sge, %iota3A, %ge3A_444 : vector<1024x1xi32>
    %le3A_446 = arith.constant 1021 : i32
    %le3A_447 = vector.broadcast %le3A_446 : i32 to vector<1024x1xi32>
    %le3A_448 = arith.cmpi sle, %iota3A, %le3A_447 : vector<1024x1xi32>
    %and3A = arith.andi %ge3A_445, %le3A_448 : vector<1024x1xi1>
    %broadcast_in_dim3A_449 = arith.constant 0.000000e+00 : f32
    %broadcast_in_dim3A_450 = vector.broadcast %broadcast_in_dim3A_449 : f32 to vector<1024x3xf32>
    %broadcast_in_dim3A_451 = vector.shape_cast %and3A : vector<1024x1xi1> to vector<1024x1xi1>
    %broadcast_in_dim3A_452 = vector.broadcast %broadcast_in_dim3A_451 : vector<1024x1xi1> to vector<1024x3xi1>
    %select_n3A_453 = arith.select %broadcast_in_dim3A_452, %div3A_400, %broadcast_in_dim3A_450 : vector<1024x3xi1>, vector<1024x3xf32>
    %broadcast_in_dim3A_454 = vector.shape_cast %and3A : vector<1024x1xi1> to vector<1024x1xi1>
    %broadcast_in_dim3A_455 = vector.broadcast %broadcast_in_dim3A_454 : vector<1024x1xi1> to vector<1024x3xi1>
    %select_n3A_456 = arith.select %broadcast_in_dim3A_455, %concatenate3A_442, %broadcast_in_dim3A_450 : vector<1024x3xi1>, vector<1024x3xf32>
    %broadcast_in_dim3A_457 = vector.shape_cast %and3A : vector<1024x1xi1> to vector<1024x1xi1>
    %broadcast_in_dim3A_458 = vector.broadcast %broadcast_in_dim3A_457 : vector<1024x1xi1> to vector<1024x3xi1>
    %select_n3A_459 = arith.select %broadcast_in_dim3A_458, %div3A_426, %broadcast_in_dim3A_450 : vector<1024x3xi1>, vector<1024x3xf32>
    %broadcast_in_dim3A_460 = arith.constant 0.000000e+00 : f32
    %broadcast_in_dim3A_461 = vector.broadcast %broadcast_in_dim3A_460 : f32 to vector<1024x4xf32>
    %concatenate3A_462 = tpu.concatenate %get3A_8, %select_n3A_453, %select_n3A_456, %select_n3A_459, %broadcast_in_dim3A_461 in 1 : vector<1024x3xf32>, vector<1024x3xf32>, vector<1024x3xf32>, vector<1024x3xf32>, vector<1024x4xf32> -> vector<1024x16xf32>
    %swap3A_463 = arith.constant 0 : index
    %swap3A_464 = arith.constant 0 : index
    %swap3A_465 = arith.constant 0 : index
    %swap3A_466 = vector.load %arg11[%swap3A_463, %swap3A_464, %swap3A_465] : memref<1x1024x16xf32, #tpu.memory_space<vmem>>, vector<1x1024x16xf32>
    %swap3A_467 = vector.shape_cast %swap3A_466 : vector<1x1024x16xf32> to vector<1024x16xf32>
    %swap3A_468 = vector.shape_cast %concatenate3A_462 : vector<1024x16xf32> to vector<1x1024x16xf32>
    tpu.vector_store %arg11[%swap3A_463, %swap3A_464, %swap3A_465], %swap3A_468 {strides = array<i32>} : memref<1x1024x16xf32, #tpu.memory_space<vmem>>, vector<1x1024x16xf32>,
    return
  }
  func.func @transform_0(%arg0: i32) -> (i32, i32, i32) {
    %c0_i32 = arith.constant 0 : i32
    %c0_i32_0 = arith.constant 0 : i32
    %c0_i32_1 = arith.constant 0 : i32
    return %arg0, %c0_i32, %c0_i32_0 : i32, i32, i32
  }
  func.func @transform_1(%arg0: i32) -> (i32, i32, i32) {
    %c0_i32 = arith.constant 0 : i32
    %c0_i32_0 = arith.constant 0 : i32
    %c0_i32_1 = arith.constant 0 : i32
    return %arg0, %c0_i32, %c0_i32_0 : i32, i32, i32
  }
  func.func @transform_2(%arg0: i32) -> (i32, i32, i32) {
    %c0_i32 = arith.constant 0 : i32
    %c0_i32_0 = arith.constant 0 : i32
    %c0_i32_1 = arith.constant 0 : i32
    return %arg0, %c0_i32, %c0_i32_0 : i32, i32, i32
  }
  func.func @transform_3(%arg0: i32) -> (i32, i32) {
    %c0_i32 = arith.constant 0 : i32
    %c0_i32_0 = arith.constant 0 : i32
    %c0_i32_1 = arith.constant 0 : i32
    return %c0_i32, %c0_i32_0 : i32, i32
  }
  func.func @transform_4(%arg0: i32) -> (i32, i32) {
    %c0_i32 = arith.constant 0 : i32
    %c0_i32_0 = arith.constant 0 : i32
    %c0_i32_1 = arith.constant 0 : i32
    return %c0_i32, %c0_i32_0 : i32, i32
  }
  func.func @transform_5(%arg0: i32) -> (i32, i32) {
    %c0_i32 = arith.constant 0 : i32
    %c0_i32_0 = arith.constant 0 : i32
    %c0_i32_1 = arith.constant 0 : i32
    return %c0_i32, %c0_i32_0 : i32, i32
  }
  func.func @transform_6(%arg0: i32) -> (i32, i32) {
    %c0_i32 = arith.constant 0 : i32
    %c0_i32_0 = arith.constant 0 : i32
    %c0_i32_1 = arith.constant 0 : i32
    return %c0_i32, %c0_i32_0 : i32, i32
  }
  func.func @transform_7(%arg0: i32) -> (i32, i32) {
    %c0_i32 = arith.constant 0 : i32
    %c0_i32_0 = arith.constant 0 : i32
    %c0_i32_1 = arith.constant 0 : i32
    return %c0_i32, %c0_i32_0 : i32, i32
  }
  func.func @transform_8(%arg0: i32) -> (i32, i32) {
    %c0_i32 = arith.constant 0 : i32
    %c0_i32_0 = arith.constant 0 : i32
    %c0_i32_1 = arith.constant 0 : i32
    return %c0_i32, %c0_i32_0 : i32, i32
  }
  func.func @transform_9(%arg0: i32) -> (i32, i32, i32) {
    %c0_i32 = arith.constant 0 : i32
    %c0_i32_0 = arith.constant 0 : i32
    %c0_i32_1 = arith.constant 0 : i32
    return %arg0, %c0_i32, %c0_i32_0 : i32, i32, i32
  }
  func.func @transform_10(%arg0: i32) -> (i32, i32, i32) {
    %c0_i32 = arith.constant 0 : i32
    %c0_i32_0 = arith.constant 0 : i32
    %c0_i32_1 = arith.constant 0 : i32
    return %arg0, %c0_i32, %c0_i32_0 : i32, i32, i32
  }
}

module attributes {stable_mosaic.version = 14 : i64} {
  func.func @_topk_body(%arg0: i32, %arg1: i32, %arg2: memref<1x256x3xf32, #tpu.memory_space<vmem>>, %arg3: memref<1x3x1024xf32, #tpu.memory_space<vmem>>, %arg4: memref<1x256x30xf32, #tpu.memory_space<vmem>>, %arg5: memref<1x256x30xi32, #tpu.memory_space<vmem>>, %arg6: memref<1x256x30xi32, #tpu.memory_space<vmem>>, %arg7: memref<1x256x30xi32, #tpu.memory_space<vmem>>) attributes {dimension_semantics = [#tpu.dimension_semantics<arbitrary>, #tpu.dimension_semantics<arbitrary>], iteration_bounds = array<i64: 8, 4>, scalar_prefetch = 0 : i64, scratch_operands = 0 : i64, tpu.core_type = #tpu.core_type<tc>, window_params = [{transform_indices = @transform_0, window_bounds = array<i64: 1, 256, 3>}, {transform_indices = @transform_1, window_bounds = array<i64: 1, 3, 1024>}, {transform_indices = @transform_2, window_bounds = array<i64: 1, 256, 30>}, {transform_indices = @transform_3, window_bounds = array<i64: 1, 256, 30>}, {transform_indices = @transform_4, window_bounds = array<i64: 1, 256, 30>}, {transform_indices = @transform_5, window_bounds = array<i64: 1, 256, 30>}]} {
    %mul3A = arith.constant 256 : i32
    %mul3A_0 = arith.muli %arg1, %mul3A : i32
    %get3A = arith.constant 0 : index
    %get3A_1 = arith.constant 0 : index
    %get3A_2 = arith.constant 0 : index
    %get3A_3 = vector.load %arg2[%get3A, %get3A_1, %get3A_2] : memref<1x256x3xf32, #tpu.memory_space<vmem>>, vector<1x256x3xf32>
    %get3A_4 = vector.shape_cast %get3A_3 : vector<1x256x3xf32> to vector<256x3xf32>
    %get3A_5 = arith.constant 0 : index
    %get3A_6 = arith.constant 0 : index
    %get3A_7 = arith.constant 0 : index
    %get3A_8 = vector.load %arg3[%get3A_5, %get3A_6, %get3A_7] : memref<1x3x1024xf32, #tpu.memory_space<vmem>>, vector<1x3x1024xf32>
    %get3A_9 = vector.shape_cast %get3A_8 : vector<1x3x1024xf32> to vector<3x1024xf32>
    %slice3A = vector.extract_strided_slice %get3A_4 {offsets = [0, 0], sizes = [256, 1], strides = [1, 1]} : vector<256x3xf32> to vector<256x1xf32>
    %slice3A_10 = vector.extract_strided_slice %get3A_9 {offsets = [0, 0], sizes = [1, 1024], strides = [1, 1]} : vector<3x1024xf32> to vector<1x1024xf32>
    %sub3A = vector.broadcast %slice3A : vector<256x1xf32> to vector<256x1024xf32>
    %sub3A_11 = vector.broadcast %slice3A_10 : vector<1x1024xf32> to vector<256x1024xf32>
    %sub3A_12 = arith.subf %sub3A, %sub3A_11 : vector<256x1024xf32>
    %mul3A_13 = arith.mulf %sub3A_12, %sub3A_12 : vector<256x1024xf32>
    %slice3A_14 = vector.extract_strided_slice %get3A_4 {offsets = [0, 1], sizes = [256, 1], strides = [1, 1]} : vector<256x3xf32> to vector<256x1xf32>
    %slice3A_15 = vector.extract_strided_slice %get3A_9 {offsets = [1, 0], sizes = [1, 1024], strides = [1, 1]} : vector<3x1024xf32> to vector<1x1024xf32>
    %sub3A_16 = vector.broadcast %slice3A_14 : vector<256x1xf32> to vector<256x1024xf32>
    %sub3A_17 = vector.broadcast %slice3A_15 : vector<1x1024xf32> to vector<256x1024xf32>
    %sub3A_18 = arith.subf %sub3A_16, %sub3A_17 : vector<256x1024xf32>
    %mul3A_19 = arith.mulf %sub3A_18, %sub3A_18 : vector<256x1024xf32>
    %add3A = arith.addf %mul3A_13, %mul3A_19 : vector<256x1024xf32>
    %slice3A_20 = vector.extract_strided_slice %get3A_4 {offsets = [0, 2], sizes = [256, 1], strides = [1, 1]} : vector<256x3xf32> to vector<256x1xf32>
    %slice3A_21 = vector.extract_strided_slice %get3A_9 {offsets = [2, 0], sizes = [1, 1024], strides = [1, 1]} : vector<3x1024xf32> to vector<1x1024xf32>
    %sub3A_22 = vector.broadcast %slice3A_20 : vector<256x1xf32> to vector<256x1024xf32>
    %sub3A_23 = vector.broadcast %slice3A_21 : vector<1x1024xf32> to vector<256x1024xf32>
    %sub3A_24 = arith.subf %sub3A_22, %sub3A_23 : vector<256x1024xf32>
    %mul3A_25 = arith.mulf %sub3A_24, %sub3A_24 : vector<256x1024xf32>
    %add3A_26 = arith.addf %add3A, %mul3A_25 : vector<256x1024xf32>
    %add3A_27 = arith.constant 9.99999997E-7 : f32
    %add3A_28 = vector.broadcast %add3A_27 : f32 to vector<256x1024xf32>
    %add3A_29 = arith.addf %add3A_26, %add3A_28 : vector<256x1024xf32>
    %sqrt3A = math.sqrt %add3A_29 : vector<256x1024xf32>
    %iota3A = tpu.iota {dimensions = array<i32: 1>} : vector<256x1024xi32>
    %reduce_min3A = arith.constant dense<0x7F800000> : vector<256xf32>
    %reduce_min3A_30 = vector.multi_reduction <minimumf>, %sqrt3A, %reduce_min3A [1] : vector<256x1024xf32> to vector<256xf32>
    %broadcast_in_dim3A = vector.shape_cast %reduce_min3A_30 : vector<256xf32> to vector<256x1xf32>
    %eq3A = vector.broadcast %broadcast_in_dim3A : vector<256x1xf32> to vector<256x1024xf32>
    %eq3A_31 = arith.cmpf oeq, %sqrt3A, %eq3A : vector<256x1024xf32>
    %jit3A = arith.constant 1024 : i32
    %broadcast_in_dim3A_32 = vector.broadcast %jit3A : i32 to vector<256x1024xi32>
    %select_n3A = arith.select %eq3A_31, %iota3A, %broadcast_in_dim3A_32 : vector<256x1024xi1>, vector<256x1024xi32>
    %reduce_min3A_33 = arith.constant dense<2147483647> : vector<256xi32>
    %reduce_min3A_34 = vector.multi_reduction <minsi>, %select_n3A, %reduce_min3A_33 [1] : vector<256x1024xi32> to vector<256xi32>
    %broadcast_in_dim3A_35 = vector.shape_cast %reduce_min3A_34 : vector<256xi32> to vector<256x1xi32>
    %eq3A_36 = vector.broadcast %broadcast_in_dim3A_35 : vector<256x1xi32> to vector<256x1024xi32>
    %eq3A_37 = arith.cmpi eq, %iota3A, %eq3A_36 : vector<256x1024xi32>
    %jit3A_38 = arith.constant 0x7F800000 : f32
    %broadcast_in_dim3A_39 = vector.broadcast %jit3A_38 : f32 to vector<256x1024xf32>
    %select_n3A_40 = arith.select %eq3A_37, %broadcast_in_dim3A_39, %sqrt3A : vector<256x1024xi1>, vector<256x1024xf32>
    %reduce_min3A_41 = arith.constant dense<0x7F800000> : vector<256xf32>
    %reduce_min3A_42 = vector.multi_reduction <minimumf>, %select_n3A_40, %reduce_min3A_41 [1] : vector<256x1024xf32> to vector<256xf32>
    %broadcast_in_dim3A_43 = vector.shape_cast %reduce_min3A_42 : vector<256xf32> to vector<256x1xf32>
    %eq3A_44 = vector.broadcast %broadcast_in_dim3A_43 : vector<256x1xf32> to vector<256x1024xf32>
    %eq3A_45 = arith.cmpf oeq, %select_n3A_40, %eq3A_44 : vector<256x1024xf32>
    %jit3A_46 = arith.constant 1024 : i32
    %broadcast_in_dim3A_47 = vector.broadcast %jit3A_46 : i32 to vector<256x1024xi32>
    %select_n3A_48 = arith.select %eq3A_45, %iota3A, %broadcast_in_dim3A_47 : vector<256x1024xi1>, vector<256x1024xi32>
    %reduce_min3A_49 = arith.constant dense<2147483647> : vector<256xi32>
    %reduce_min3A_50 = vector.multi_reduction <minsi>, %select_n3A_48, %reduce_min3A_49 [1] : vector<256x1024xi32> to vector<256xi32>
    %broadcast_in_dim3A_51 = vector.shape_cast %reduce_min3A_50 : vector<256xi32> to vector<256x1xi32>
    %eq3A_52 = vector.broadcast %broadcast_in_dim3A_51 : vector<256x1xi32> to vector<256x1024xi32>
    %eq3A_53 = arith.cmpi eq, %iota3A, %eq3A_52 : vector<256x1024xi32>
    %jit3A_54 = arith.constant 0x7F800000 : f32
    %broadcast_in_dim3A_55 = vector.broadcast %jit3A_54 : f32 to vector<256x1024xf32>
    %select_n3A_56 = arith.select %eq3A_53, %broadcast_in_dim3A_55, %select_n3A_40 : vector<256x1024xi1>, vector<256x1024xf32>
    %reduce_min3A_57 = arith.constant dense<0x7F800000> : vector<256xf32>
    %reduce_min3A_58 = vector.multi_reduction <minimumf>, %select_n3A_56, %reduce_min3A_57 [1] : vector<256x1024xf32> to vector<256xf32>
    %broadcast_in_dim3A_59 = vector.shape_cast %reduce_min3A_58 : vector<256xf32> to vector<256x1xf32>
    %eq3A_60 = vector.broadcast %broadcast_in_dim3A_59 : vector<256x1xf32> to vector<256x1024xf32>
    %eq3A_61 = arith.cmpf oeq, %select_n3A_56, %eq3A_60 : vector<256x1024xf32>
    %jit3A_62 = arith.constant 1024 : i32
    %broadcast_in_dim3A_63 = vector.broadcast %jit3A_62 : i32 to vector<256x1024xi32>
    %select_n3A_64 = arith.select %eq3A_61, %iota3A, %broadcast_in_dim3A_63 : vector<256x1024xi1>, vector<256x1024xi32>
    %reduce_min3A_65 = arith.constant dense<2147483647> : vector<256xi32>
    %reduce_min3A_66 = vector.multi_reduction <minsi>, %select_n3A_64, %reduce_min3A_65 [1] : vector<256x1024xi32> to vector<256xi32>
    %broadcast_in_dim3A_67 = vector.shape_cast %reduce_min3A_66 : vector<256xi32> to vector<256x1xi32>
    %eq3A_68 = vector.broadcast %broadcast_in_dim3A_67 : vector<256x1xi32> to vector<256x1024xi32>
    %eq3A_69 = arith.cmpi eq, %iota3A, %eq3A_68 : vector<256x1024xi32>
    %jit3A_70 = arith.constant 0x7F800000 : f32
    %broadcast_in_dim3A_71 = vector.broadcast %jit3A_70 : f32 to vector<256x1024xf32>
    %select_n3A_72 = arith.select %eq3A_69, %broadcast_in_dim3A_71, %select_n3A_56 : vector<256x1024xi1>, vector<256x1024xf32>
    %reduce_min3A_73 = arith.constant dense<0x7F800000> : vector<256xf32>
    %reduce_min3A_74 = vector.multi_reduction <minimumf>, %select_n3A_72, %reduce_min3A_73 [1] : vector<256x1024xf32> to vector<256xf32>
    %broadcast_in_dim3A_75 = vector.shape_cast %reduce_min3A_74 : vector<256xf32> to vector<256x1xf32>
    %eq3A_76 = vector.broadcast %broadcast_in_dim3A_75 : vector<256x1xf32> to vector<256x1024xf32>
    %eq3A_77 = arith.cmpf oeq, %select_n3A_72, %eq3A_76 : vector<256x1024xf32>
    %jit3A_78 = arith.constant 1024 : i32
    %broadcast_in_dim3A_79 = vector.broadcast %jit3A_78 : i32 to vector<256x1024xi32>
    %select_n3A_80 = arith.select %eq3A_77, %iota3A, %broadcast_in_dim3A_79 : vector<256x1024xi1>, vector<256x1024xi32>
    %reduce_min3A_81 = arith.constant dense<2147483647> : vector<256xi32>
    %reduce_min3A_82 = vector.multi_reduction <minsi>, %select_n3A_80, %reduce_min3A_81 [1] : vector<256x1024xi32> to vector<256xi32>
    %broadcast_in_dim3A_83 = vector.shape_cast %reduce_min3A_82 : vector<256xi32> to vector<256x1xi32>
    %eq3A_84 = vector.broadcast %broadcast_in_dim3A_83 : vector<256x1xi32> to vector<256x1024xi32>
    %eq3A_85 = arith.cmpi eq, %iota3A, %eq3A_84 : vector<256x1024xi32>
    %jit3A_86 = arith.constant 0x7F800000 : f32
    %broadcast_in_dim3A_87 = vector.broadcast %jit3A_86 : f32 to vector<256x1024xf32>
    %select_n3A_88 = arith.select %eq3A_85, %broadcast_in_dim3A_87, %select_n3A_72 : vector<256x1024xi1>, vector<256x1024xf32>
    %reduce_min3A_89 = arith.constant dense<0x7F800000> : vector<256xf32>
    %reduce_min3A_90 = vector.multi_reduction <minimumf>, %select_n3A_88, %reduce_min3A_89 [1] : vector<256x1024xf32> to vector<256xf32>
    %broadcast_in_dim3A_91 = vector.shape_cast %reduce_min3A_90 : vector<256xf32> to vector<256x1xf32>
    %eq3A_92 = vector.broadcast %broadcast_in_dim3A_91 : vector<256x1xf32> to vector<256x1024xf32>
    %eq3A_93 = arith.cmpf oeq, %select_n3A_88, %eq3A_92 : vector<256x1024xf32>
    %jit3A_94 = arith.constant 1024 : i32
    %broadcast_in_dim3A_95 = vector.broadcast %jit3A_94 : i32 to vector<256x1024xi32>
    %select_n3A_96 = arith.select %eq3A_93, %iota3A, %broadcast_in_dim3A_95 : vector<256x1024xi1>, vector<256x1024xi32>
    %reduce_min3A_97 = arith.constant dense<2147483647> : vector<256xi32>
    %reduce_min3A_98 = vector.multi_reduction <minsi>, %select_n3A_96, %reduce_min3A_97 [1] : vector<256x1024xi32> to vector<256xi32>
    %broadcast_in_dim3A_99 = vector.shape_cast %reduce_min3A_98 : vector<256xi32> to vector<256x1xi32>
    %eq3A_100 = vector.broadcast %broadcast_in_dim3A_99 : vector<256x1xi32> to vector<256x1024xi32>
    %eq3A_101 = arith.cmpi eq, %iota3A, %eq3A_100 : vector<256x1024xi32>
    %jit3A_102 = arith.constant 0x7F800000 : f32
    %broadcast_in_dim3A_103 = vector.broadcast %jit3A_102 : f32 to vector<256x1024xf32>
    %select_n3A_104 = arith.select %eq3A_101, %broadcast_in_dim3A_103, %select_n3A_88 : vector<256x1024xi1>, vector<256x1024xf32>
    %reduce_min3A_105 = arith.constant dense<0x7F800000> : vector<256xf32>
    %reduce_min3A_106 = vector.multi_reduction <minimumf>, %select_n3A_104, %reduce_min3A_105 [1] : vector<256x1024xf32> to vector<256xf32>
    %broadcast_in_dim3A_107 = vector.shape_cast %reduce_min3A_106 : vector<256xf32> to vector<256x1xf32>
    %eq3A_108 = vector.broadcast %broadcast_in_dim3A_107 : vector<256x1xf32> to vector<256x1024xf32>
    %eq3A_109 = arith.cmpf oeq, %select_n3A_104, %eq3A_108 : vector<256x1024xf32>
    %jit3A_110 = arith.constant 1024 : i32
    %broadcast_in_dim3A_111 = vector.broadcast %jit3A_110 : i32 to vector<256x1024xi32>
    %select_n3A_112 = arith.select %eq3A_109, %iota3A, %broadcast_in_dim3A_111 : vector<256x1024xi1>, vector<256x1024xi32>
    %reduce_min3A_113 = arith.constant dense<2147483647> : vector<256xi32>
    %reduce_min3A_114 = vector.multi_reduction <minsi>, %select_n3A_112, %reduce_min3A_113 [1] : vector<256x1024xi32> to vector<256xi32>
    %broadcast_in_dim3A_115 = vector.shape_cast %reduce_min3A_114 : vector<256xi32> to vector<256x1xi32>
    %eq3A_116 = vector.broadcast %broadcast_in_dim3A_115 : vector<256x1xi32> to vector<256x1024xi32>
    %eq3A_117 = arith.cmpi eq, %iota3A, %eq3A_116 : vector<256x1024xi32>
    %jit3A_118 = arith.constant 0x7F800000 : f32
    %broadcast_in_dim3A_119 = vector.broadcast %jit3A_118 : f32 to vector<256x1024xf32>
    %select_n3A_120 = arith.select %eq3A_117, %broadcast_in_dim3A_119, %select_n3A_104 : vector<256x1024xi1>, vector<256x1024xf32>
    %reduce_min3A_121 = arith.constant dense<0x7F800000> : vector<256xf32>
    %reduce_min3A_122 = vector.multi_reduction <minimumf>, %select_n3A_120, %reduce_min3A_121 [1] : vector<256x1024xf32> to vector<256xf32>
    %broadcast_in_dim3A_123 = vector.shape_cast %reduce_min3A_122 : vector<256xf32> to vector<256x1xf32>
    %eq3A_124 = vector.broadcast %broadcast_in_dim3A_123 : vector<256x1xf32> to vector<256x1024xf32>
    %eq3A_125 = arith.cmpf oeq, %select_n3A_120, %eq3A_124 : vector<256x1024xf32>
    %jit3A_126 = arith.constant 1024 : i32
    %broadcast_in_dim3A_127 = vector.broadcast %jit3A_126 : i32 to vector<256x1024xi32>
    %select_n3A_128 = arith.select %eq3A_125, %iota3A, %broadcast_in_dim3A_127 : vector<256x1024xi1>, vector<256x1024xi32>
    %reduce_min3A_129 = arith.constant dense<2147483647> : vector<256xi32>
    %reduce_min3A_130 = vector.multi_reduction <minsi>, %select_n3A_128, %reduce_min3A_129 [1] : vector<256x1024xi32> to vector<256xi32>
    %broadcast_in_dim3A_131 = vector.shape_cast %reduce_min3A_130 : vector<256xi32> to vector<256x1xi32>
    %eq3A_132 = vector.broadcast %broadcast_in_dim3A_131 : vector<256x1xi32> to vector<256x1024xi32>
    %eq3A_133 = arith.cmpi eq, %iota3A, %eq3A_132 : vector<256x1024xi32>
    %jit3A_134 = arith.constant 0x7F800000 : f32
    %broadcast_in_dim3A_135 = vector.broadcast %jit3A_134 : f32 to vector<256x1024xf32>
    %select_n3A_136 = arith.select %eq3A_133, %broadcast_in_dim3A_135, %select_n3A_120 : vector<256x1024xi1>, vector<256x1024xf32>
    %reduce_min3A_137 = arith.constant dense<0x7F800000> : vector<256xf32>
    %reduce_min3A_138 = vector.multi_reduction <minimumf>, %select_n3A_136, %reduce_min3A_137 [1] : vector<256x1024xf32> to vector<256xf32>
    %broadcast_in_dim3A_139 = vector.shape_cast %reduce_min3A_138 : vector<256xf32> to vector<256x1xf32>
    %eq3A_140 = vector.broadcast %broadcast_in_dim3A_139 : vector<256x1xf32> to vector<256x1024xf32>
    %eq3A_141 = arith.cmpf oeq, %select_n3A_136, %eq3A_140 : vector<256x1024xf32>
    %jit3A_142 = arith.constant 1024 : i32
    %broadcast_in_dim3A_143 = vector.broadcast %jit3A_142 : i32 to vector<256x1024xi32>
    %select_n3A_144 = arith.select %eq3A_141, %iota3A, %broadcast_in_dim3A_143 : vector<256x1024xi1>, vector<256x1024xi32>
    %reduce_min3A_145 = arith.constant dense<2147483647> : vector<256xi32>
    %reduce_min3A_146 = vector.multi_reduction <minsi>, %select_n3A_144, %reduce_min3A_145 [1] : vector<256x1024xi32> to vector<256xi32>
    %broadcast_in_dim3A_147 = vector.shape_cast %reduce_min3A_146 : vector<256xi32> to vector<256x1xi32>
    %eq3A_148 = vector.broadcast %broadcast_in_dim3A_147 : vector<256x1xi32> to vector<256x1024xi32>
    %eq3A_149 = arith.cmpi eq, %iota3A, %eq3A_148 : vector<256x1024xi32>
    %jit3A_150 = arith.constant 0x7F800000 : f32
    %broadcast_in_dim3A_151 = vector.broadcast %jit3A_150 : f32 to vector<256x1024xf32>
    %select_n3A_152 = arith.select %eq3A_149, %broadcast_in_dim3A_151, %select_n3A_136 : vector<256x1024xi1>, vector<256x1024xf32>
    %reduce_min3A_153 = arith.constant dense<0x7F800000> : vector<256xf32>
    %reduce_min3A_154 = vector.multi_reduction <minimumf>, %select_n3A_152, %reduce_min3A_153 [1] : vector<256x1024xf32> to vector<256xf32>
    %broadcast_in_dim3A_155 = vector.shape_cast %reduce_min3A_154 : vector<256xf32> to vector<256x1xf32>
    %eq3A_156 = vector.broadcast %broadcast_in_dim3A_155 : vector<256x1xf32> to vector<256x1024xf32>
    %eq3A_157 = arith.cmpf oeq, %select_n3A_152, %eq3A_156 : vector<256x1024xf32>
    %jit3A_158 = arith.constant 1024 : i32
    %broadcast_in_dim3A_159 = vector.broadcast %jit3A_158 : i32 to vector<256x1024xi32>
    %select_n3A_160 = arith.select %eq3A_157, %iota3A, %broadcast_in_dim3A_159 : vector<256x1024xi1>, vector<256x1024xi32>
    %reduce_min3A_161 = arith.constant dense<2147483647> : vector<256xi32>
    %reduce_min3A_162 = vector.multi_reduction <minsi>, %select_n3A_160, %reduce_min3A_161 [1] : vector<256x1024xi32> to vector<256xi32>
    %broadcast_in_dim3A_163 = vector.shape_cast %reduce_min3A_162 : vector<256xi32> to vector<256x1xi32>
    %eq3A_164 = vector.broadcast %broadcast_in_dim3A_163 : vector<256x1xi32> to vector<256x1024xi32>
    %eq3A_165 = arith.cmpi eq, %iota3A, %eq3A_164 : vector<256x1024xi32>
    %jit3A_166 = arith.constant 0x7F800000 : f32
    %broadcast_in_dim3A_167 = vector.broadcast %jit3A_166 : f32 to vector<256x1024xf32>
    %select_n3A_168 = arith.select %eq3A_165, %broadcast_in_dim3A_167, %select_n3A_152 : vector<256x1024xi1>, vector<256x1024xf32>
    %reduce_min3A_169 = arith.constant dense<0x7F800000> : vector<256xf32>
    %reduce_min3A_170 = vector.multi_reduction <minimumf>, %select_n3A_168, %reduce_min3A_169 [1] : vector<256x1024xf32> to vector<256xf32>
    %broadcast_in_dim3A_171 = vector.shape_cast %reduce_min3A_170 : vector<256xf32> to vector<256x1xf32>
    %eq3A_172 = vector.broadcast %broadcast_in_dim3A_171 : vector<256x1xf32> to vector<256x1024xf32>
    %eq3A_173 = arith.cmpf oeq, %select_n3A_168, %eq3A_172 : vector<256x1024xf32>
    %jit3A_174 = arith.constant 1024 : i32
    %broadcast_in_dim3A_175 = vector.broadcast %jit3A_174 : i32 to vector<256x1024xi32>
    %select_n3A_176 = arith.select %eq3A_173, %iota3A, %broadcast_in_dim3A_175 : vector<256x1024xi1>, vector<256x1024xi32>
    %reduce_min3A_177 = arith.constant dense<2147483647> : vector<256xi32>
    %reduce_min3A_178 = vector.multi_reduction <minsi>, %select_n3A_176, %reduce_min3A_177 [1] : vector<256x1024xi32> to vector<256xi32>
    %broadcast_in_dim3A_179 = vector.shape_cast %reduce_min3A_178 : vector<256xi32> to vector<256x1xi32>
    %eq3A_180 = vector.broadcast %broadcast_in_dim3A_179 : vector<256x1xi32> to vector<256x1024xi32>
    %eq3A_181 = arith.cmpi eq, %iota3A, %eq3A_180 : vector<256x1024xi32>
    %jit3A_182 = arith.constant 0x7F800000 : f32
    %broadcast_in_dim3A_183 = vector.broadcast %jit3A_182 : f32 to vector<256x1024xf32>
    %select_n3A_184 = arith.select %eq3A_181, %broadcast_in_dim3A_183, %select_n3A_168 : vector<256x1024xi1>, vector<256x1024xf32>
    %reduce_min3A_185 = arith.constant dense<0x7F800000> : vector<256xf32>
    %reduce_min3A_186 = vector.multi_reduction <minimumf>, %select_n3A_184, %reduce_min3A_185 [1] : vector<256x1024xf32> to vector<256xf32>
    %broadcast_in_dim3A_187 = vector.shape_cast %reduce_min3A_186 : vector<256xf32> to vector<256x1xf32>
    %eq3A_188 = vector.broadcast %broadcast_in_dim3A_187 : vector<256x1xf32> to vector<256x1024xf32>
    %eq3A_189 = arith.cmpf oeq, %select_n3A_184, %eq3A_188 : vector<256x1024xf32>
    %jit3A_190 = arith.constant 1024 : i32
    %broadcast_in_dim3A_191 = vector.broadcast %jit3A_190 : i32 to vector<256x1024xi32>
    %select_n3A_192 = arith.select %eq3A_189, %iota3A, %broadcast_in_dim3A_191 : vector<256x1024xi1>, vector<256x1024xi32>
    %reduce_min3A_193 = arith.constant dense<2147483647> : vector<256xi32>
    %reduce_min3A_194 = vector.multi_reduction <minsi>, %select_n3A_192, %reduce_min3A_193 [1] : vector<256x1024xi32> to vector<256xi32>
    %broadcast_in_dim3A_195 = vector.shape_cast %reduce_min3A_194 : vector<256xi32> to vector<256x1xi32>
    %eq3A_196 = vector.broadcast %broadcast_in_dim3A_195 : vector<256x1xi32> to vector<256x1024xi32>
    %eq3A_197 = arith.cmpi eq, %iota3A, %eq3A_196 : vector<256x1024xi32>
    %jit3A_198 = arith.constant 0x7F800000 : f32
    %broadcast_in_dim3A_199 = vector.broadcast %jit3A_198 : f32 to vector<256x1024xf32>
    %select_n3A_200 = arith.select %eq3A_197, %broadcast_in_dim3A_199, %select_n3A_184 : vector<256x1024xi1>, vector<256x1024xf32>
    %reduce_min3A_201 = arith.constant dense<0x7F800000> : vector<256xf32>
    %reduce_min3A_202 = vector.multi_reduction <minimumf>, %select_n3A_200, %reduce_min3A_201 [1] : vector<256x1024xf32> to vector<256xf32>
    %broadcast_in_dim3A_203 = vector.shape_cast %reduce_min3A_202 : vector<256xf32> to vector<256x1xf32>
    %eq3A_204 = vector.broadcast %broadcast_in_dim3A_203 : vector<256x1xf32> to vector<256x1024xf32>
    %eq3A_205 = arith.cmpf oeq, %select_n3A_200, %eq3A_204 : vector<256x1024xf32>
    %jit3A_206 = arith.constant 1024 : i32
    %broadcast_in_dim3A_207 = vector.broadcast %jit3A_206 : i32 to vector<256x1024xi32>
    %select_n3A_208 = arith.select %eq3A_205, %iota3A, %broadcast_in_dim3A_207 : vector<256x1024xi1>, vector<256x1024xi32>
    %reduce_min3A_209 = arith.constant dense<2147483647> : vector<256xi32>
    %reduce_min3A_210 = vector.multi_reduction <minsi>, %select_n3A_208, %reduce_min3A_209 [1] : vector<256x1024xi32> to vector<256xi32>
    %broadcast_in_dim3A_211 = vector.shape_cast %reduce_min3A_210 : vector<256xi32> to vector<256x1xi32>
    %eq3A_212 = vector.broadcast %broadcast_in_dim3A_211 : vector<256x1xi32> to vector<256x1024xi32>
    %eq3A_213 = arith.cmpi eq, %iota3A, %eq3A_212 : vector<256x1024xi32>
    %jit3A_214 = arith.constant 0x7F800000 : f32
    %broadcast_in_dim3A_215 = vector.broadcast %jit3A_214 : f32 to vector<256x1024xf32>
    %select_n3A_216 = arith.select %eq3A_213, %broadcast_in_dim3A_215, %select_n3A_200 : vector<256x1024xi1>, vector<256x1024xf32>
    %reduce_min3A_217 = arith.constant dense<0x7F800000> : vector<256xf32>
    %reduce_min3A_218 = vector.multi_reduction <minimumf>, %select_n3A_216, %reduce_min3A_217 [1] : vector<256x1024xf32> to vector<256xf32>
    %broadcast_in_dim3A_219 = vector.shape_cast %reduce_min3A_218 : vector<256xf32> to vector<256x1xf32>
    %eq3A_220 = vector.broadcast %broadcast_in_dim3A_219 : vector<256x1xf32> to vector<256x1024xf32>
    %eq3A_221 = arith.cmpf oeq, %select_n3A_216, %eq3A_220 : vector<256x1024xf32>
    %jit3A_222 = arith.constant 1024 : i32
    %broadcast_in_dim3A_223 = vector.broadcast %jit3A_222 : i32 to vector<256x1024xi32>
    %select_n3A_224 = arith.select %eq3A_221, %iota3A, %broadcast_in_dim3A_223 : vector<256x1024xi1>, vector<256x1024xi32>
    %reduce_min3A_225 = arith.constant dense<2147483647> : vector<256xi32>
    %reduce_min3A_226 = vector.multi_reduction <minsi>, %select_n3A_224, %reduce_min3A_225 [1] : vector<256x1024xi32> to vector<256xi32>
    %broadcast_in_dim3A_227 = vector.shape_cast %reduce_min3A_226 : vector<256xi32> to vector<256x1xi32>
    %eq3A_228 = vector.broadcast %broadcast_in_dim3A_227 : vector<256x1xi32> to vector<256x1024xi32>
    %eq3A_229 = arith.cmpi eq, %iota3A, %eq3A_228 : vector<256x1024xi32>
    %jit3A_230 = arith.constant 0x7F800000 : f32
    %broadcast_in_dim3A_231 = vector.broadcast %jit3A_230 : f32 to vector<256x1024xf32>
    %select_n3A_232 = arith.select %eq3A_229, %broadcast_in_dim3A_231, %select_n3A_216 : vector<256x1024xi1>, vector<256x1024xf32>
    %reduce_min3A_233 = arith.constant dense<0x7F800000> : vector<256xf32>
    %reduce_min3A_234 = vector.multi_reduction <minimumf>, %select_n3A_232, %reduce_min3A_233 [1] : vector<256x1024xf32> to vector<256xf32>
    %broadcast_in_dim3A_235 = vector.shape_cast %reduce_min3A_234 : vector<256xf32> to vector<256x1xf32>
    %eq3A_236 = vector.broadcast %broadcast_in_dim3A_235 : vector<256x1xf32> to vector<256x1024xf32>
    %eq3A_237 = arith.cmpf oeq, %select_n3A_232, %eq3A_236 : vector<256x1024xf32>
    %jit3A_238 = arith.constant 1024 : i32
    %broadcast_in_dim3A_239 = vector.broadcast %jit3A_238 : i32 to vector<256x1024xi32>
    %select_n3A_240 = arith.select %eq3A_237, %iota3A, %broadcast_in_dim3A_239 : vector<256x1024xi1>, vector<256x1024xi32>
    %reduce_min3A_241 = arith.constant dense<2147483647> : vector<256xi32>
    %reduce_min3A_242 = vector.multi_reduction <minsi>, %select_n3A_240, %reduce_min3A_241 [1] : vector<256x1024xi32> to vector<256xi32>
    %broadcast_in_dim3A_243 = vector.shape_cast %reduce_min3A_242 : vector<256xi32> to vector<256x1xi32>
    %eq3A_244 = vector.broadcast %broadcast_in_dim3A_243 : vector<256x1xi32> to vector<256x1024xi32>
    %eq3A_245 = arith.cmpi eq, %iota3A, %eq3A_244 : vector<256x1024xi32>
    %jit3A_246 = arith.constant 0x7F800000 : f32
    %broadcast_in_dim3A_247 = vector.broadcast %jit3A_246 : f32 to vector<256x1024xf32>
    %select_n3A_248 = arith.select %eq3A_245, %broadcast_in_dim3A_247, %select_n3A_232 : vector<256x1024xi1>, vector<256x1024xf32>
    %reduce_min3A_249 = arith.constant dense<0x7F800000> : vector<256xf32>
    %reduce_min3A_250 = vector.multi_reduction <minimumf>, %select_n3A_248, %reduce_min3A_249 [1] : vector<256x1024xf32> to vector<256xf32>
    %broadcast_in_dim3A_251 = vector.shape_cast %reduce_min3A_250 : vector<256xf32> to vector<256x1xf32>
    %eq3A_252 = vector.broadcast %broadcast_in_dim3A_251 : vector<256x1xf32> to vector<256x1024xf32>
    %eq3A_253 = arith.cmpf oeq, %select_n3A_248, %eq3A_252 : vector<256x1024xf32>
    %jit3A_254 = arith.constant 1024 : i32
    %broadcast_in_dim3A_255 = vector.broadcast %jit3A_254 : i32 to vector<256x1024xi32>
    %select_n3A_256 = arith.select %eq3A_253, %iota3A, %broadcast_in_dim3A_255 : vector<256x1024xi1>, vector<256x1024xi32>
    %reduce_min3A_257 = arith.constant dense<2147483647> : vector<256xi32>
    %reduce_min3A_258 = vector.multi_reduction <minsi>, %select_n3A_256, %reduce_min3A_257 [1] : vector<256x1024xi32> to vector<256xi32>
    %broadcast_in_dim3A_259 = vector.shape_cast %reduce_min3A_258 : vector<256xi32> to vector<256x1xi32>
    %eq3A_260 = vector.broadcast %broadcast_in_dim3A_259 : vector<256x1xi32> to vector<256x1024xi32>
    %eq3A_261 = arith.cmpi eq, %iota3A, %eq3A_260 : vector<256x1024xi32>
    %jit3A_262 = arith.constant 0x7F800000 : f32
    %broadcast_in_dim3A_263 = vector.broadcast %jit3A_262 : f32 to vector<256x1024xf32>
    %select_n3A_264 = arith.select %eq3A_261, %broadcast_in_dim3A_263, %select_n3A_248 : vector<256x1024xi1>, vector<256x1024xf32>
    %reduce_min3A_265 = arith.constant dense<0x7F800000> : vector<256xf32>
    %reduce_min3A_266 = vector.multi_reduction <minimumf>, %select_n3A_264, %reduce_min3A_265 [1] : vector<256x1024xf32> to vector<256xf32>
    %broadcast_in_dim3A_267 = vector.shape_cast %reduce_min3A_266 : vector<256xf32> to vector<256x1xf32>
    %eq3A_268 = vector.broadcast %broadcast_in_dim3A_267 : vector<256x1xf32> to vector<256x1024xf32>
    %eq3A_269 = arith.cmpf oeq, %select_n3A_264, %eq3A_268 : vector<256x1024xf32>
    %jit3A_270 = arith.constant 1024 : i32
    %broadcast_in_dim3A_271 = vector.broadcast %jit3A_270 : i32 to vector<256x1024xi32>
    %select_n3A_272 = arith.select %eq3A_269, %iota3A, %broadcast_in_dim3A_271 : vector<256x1024xi1>, vector<256x1024xi32>
    %reduce_min3A_273 = arith.constant dense<2147483647> : vector<256xi32>
    %reduce_min3A_274 = vector.multi_reduction <minsi>, %select_n3A_272, %reduce_min3A_273 [1] : vector<256x1024xi32> to vector<256xi32>
    %broadcast_in_dim3A_275 = vector.shape_cast %reduce_min3A_274 : vector<256xi32> to vector<256x1xi32>
    %eq3A_276 = vector.broadcast %broadcast_in_dim3A_275 : vector<256x1xi32> to vector<256x1024xi32>
    %eq3A_277 = arith.cmpi eq, %iota3A, %eq3A_276 : vector<256x1024xi32>
    %jit3A_278 = arith.constant 0x7F800000 : f32
    %broadcast_in_dim3A_279 = vector.broadcast %jit3A_278 : f32 to vector<256x1024xf32>
    %select_n3A_280 = arith.select %eq3A_277, %broadcast_in_dim3A_279, %select_n3A_264 : vector<256x1024xi1>, vector<256x1024xf32>
    %reduce_min3A_281 = arith.constant dense<0x7F800000> : vector<256xf32>
    %reduce_min3A_282 = vector.multi_reduction <minimumf>, %select_n3A_280, %reduce_min3A_281 [1] : vector<256x1024xf32> to vector<256xf32>
    %broadcast_in_dim3A_283 = vector.shape_cast %reduce_min3A_282 : vector<256xf32> to vector<256x1xf32>
    %eq3A_284 = vector.broadcast %broadcast_in_dim3A_283 : vector<256x1xf32> to vector<256x1024xf32>
    %eq3A_285 = arith.cmpf oeq, %select_n3A_280, %eq3A_284 : vector<256x1024xf32>
    %jit3A_286 = arith.constant 1024 : i32
    %broadcast_in_dim3A_287 = vector.broadcast %jit3A_286 : i32 to vector<256x1024xi32>
    %select_n3A_288 = arith.select %eq3A_285, %iota3A, %broadcast_in_dim3A_287 : vector<256x1024xi1>, vector<256x1024xi32>
    %reduce_min3A_289 = arith.constant dense<2147483647> : vector<256xi32>
    %reduce_min3A_290 = vector.multi_reduction <minsi>, %select_n3A_288, %reduce_min3A_289 [1] : vector<256x1024xi32> to vector<256xi32>
    %broadcast_in_dim3A_291 = vector.shape_cast %reduce_min3A_290 : vector<256xi32> to vector<256x1xi32>
    %eq3A_292 = vector.broadcast %broadcast_in_dim3A_291 : vector<256x1xi32> to vector<256x1024xi32>
    %eq3A_293 = arith.cmpi eq, %iota3A, %eq3A_292 : vector<256x1024xi32>
    %jit3A_294 = arith.constant 0x7F800000 : f32
    %broadcast_in_dim3A_295 = vector.broadcast %jit3A_294 : f32 to vector<256x1024xf32>
    %select_n3A_296 = arith.select %eq3A_293, %broadcast_in_dim3A_295, %select_n3A_280 : vector<256x1024xi1>, vector<256x1024xf32>
    %reduce_min3A_297 = arith.constant dense<0x7F800000> : vector<256xf32>
    %reduce_min3A_298 = vector.multi_reduction <minimumf>, %select_n3A_296, %reduce_min3A_297 [1] : vector<256x1024xf32> to vector<256xf32>
    %broadcast_in_dim3A_299 = vector.shape_cast %reduce_min3A_298 : vector<256xf32> to vector<256x1xf32>
    %eq3A_300 = vector.broadcast %broadcast_in_dim3A_299 : vector<256x1xf32> to vector<256x1024xf32>
    %eq3A_301 = arith.cmpf oeq, %select_n3A_296, %eq3A_300 : vector<256x1024xf32>
    %jit3A_302 = arith.constant 1024 : i32
    %broadcast_in_dim3A_303 = vector.broadcast %jit3A_302 : i32 to vector<256x1024xi32>
    %select_n3A_304 = arith.select %eq3A_301, %iota3A, %broadcast_in_dim3A_303 : vector<256x1024xi1>, vector<256x1024xi32>
    %reduce_min3A_305 = arith.constant dense<2147483647> : vector<256xi32>
    %reduce_min3A_306 = vector.multi_reduction <minsi>, %select_n3A_304, %reduce_min3A_305 [1] : vector<256x1024xi32> to vector<256xi32>
    %broadcast_in_dim3A_307 = vector.shape_cast %reduce_min3A_306 : vector<256xi32> to vector<256x1xi32>
    %eq3A_308 = vector.broadcast %broadcast_in_dim3A_307 : vector<256x1xi32> to vector<256x1024xi32>
    %eq3A_309 = arith.cmpi eq, %iota3A, %eq3A_308 : vector<256x1024xi32>
    %jit3A_310 = arith.constant 0x7F800000 : f32
    %broadcast_in_dim3A_311 = vector.broadcast %jit3A_310 : f32 to vector<256x1024xf32>
    %select_n3A_312 = arith.select %eq3A_309, %broadcast_in_dim3A_311, %select_n3A_296 : vector<256x1024xi1>, vector<256x1024xf32>
    %reduce_min3A_313 = arith.constant dense<0x7F800000> : vector<256xf32>
    %reduce_min3A_314 = vector.multi_reduction <minimumf>, %select_n3A_312, %reduce_min3A_313 [1] : vector<256x1024xf32> to vector<256xf32>
    %broadcast_in_dim3A_315 = vector.shape_cast %reduce_min3A_314 : vector<256xf32> to vector<256x1xf32>
    %eq3A_316 = vector.broadcast %broadcast_in_dim3A_315 : vector<256x1xf32> to vector<256x1024xf32>
    %eq3A_317 = arith.cmpf oeq, %select_n3A_312, %eq3A_316 : vector<256x1024xf32>
    %jit3A_318 = arith.constant 1024 : i32
    %broadcast_in_dim3A_319 = vector.broadcast %jit3A_318 : i32 to vector<256x1024xi32>
    %select_n3A_320 = arith.select %eq3A_317, %iota3A, %broadcast_in_dim3A_319 : vector<256x1024xi1>, vector<256x1024xi32>
    %reduce_min3A_321 = arith.constant dense<2147483647> : vector<256xi32>
    %reduce_min3A_322 = vector.multi_reduction <minsi>, %select_n3A_320, %reduce_min3A_321 [1] : vector<256x1024xi32> to vector<256xi32>
    %broadcast_in_dim3A_323 = vector.shape_cast %reduce_min3A_322 : vector<256xi32> to vector<256x1xi32>
    %eq3A_324 = vector.broadcast %broadcast_in_dim3A_323 : vector<256x1xi32> to vector<256x1024xi32>
    %eq3A_325 = arith.cmpi eq, %iota3A, %eq3A_324 : vector<256x1024xi32>
    %jit3A_326 = arith.constant 0x7F800000 : f32
    %broadcast_in_dim3A_327 = vector.broadcast %jit3A_326 : f32 to vector<256x1024xf32>
    %select_n3A_328 = arith.select %eq3A_325, %broadcast_in_dim3A_327, %select_n3A_312 : vector<256x1024xi1>, vector<256x1024xf32>
    %reduce_min3A_329 = arith.constant dense<0x7F800000> : vector<256xf32>
    %reduce_min3A_330 = vector.multi_reduction <minimumf>, %select_n3A_328, %reduce_min3A_329 [1] : vector<256x1024xf32> to vector<256xf32>
    %broadcast_in_dim3A_331 = vector.shape_cast %reduce_min3A_330 : vector<256xf32> to vector<256x1xf32>
    %eq3A_332 = vector.broadcast %broadcast_in_dim3A_331 : vector<256x1xf32> to vector<256x1024xf32>
    %eq3A_333 = arith.cmpf oeq, %select_n3A_328, %eq3A_332 : vector<256x1024xf32>
    %jit3A_334 = arith.constant 1024 : i32
    %broadcast_in_dim3A_335 = vector.broadcast %jit3A_334 : i32 to vector<256x1024xi32>
    %select_n3A_336 = arith.select %eq3A_333, %iota3A, %broadcast_in_dim3A_335 : vector<256x1024xi1>, vector<256x1024xi32>
    %reduce_min3A_337 = arith.constant dense<2147483647> : vector<256xi32>
    %reduce_min3A_338 = vector.multi_reduction <minsi>, %select_n3A_336, %reduce_min3A_337 [1] : vector<256x1024xi32> to vector<256xi32>
    %broadcast_in_dim3A_339 = vector.shape_cast %reduce_min3A_338 : vector<256xi32> to vector<256x1xi32>
    %eq3A_340 = vector.broadcast %broadcast_in_dim3A_339 : vector<256x1xi32> to vector<256x1024xi32>
    %eq3A_341 = arith.cmpi eq, %iota3A, %eq3A_340 : vector<256x1024xi32>
    %jit3A_342 = arith.constant 0x7F800000 : f32
    %broadcast_in_dim3A_343 = vector.broadcast %jit3A_342 : f32 to vector<256x1024xf32>
    %select_n3A_344 = arith.select %eq3A_341, %broadcast_in_dim3A_343, %select_n3A_328 : vector<256x1024xi1>, vector<256x1024xf32>
    %reduce_min3A_345 = arith.constant dense<0x7F800000> : vector<256xf32>
    %reduce_min3A_346 = vector.multi_reduction <minimumf>, %select_n3A_344, %reduce_min3A_345 [1] : vector<256x1024xf32> to vector<256xf32>
    %broadcast_in_dim3A_347 = vector.shape_cast %reduce_min3A_346 : vector<256xf32> to vector<256x1xf32>
    %eq3A_348 = vector.broadcast %broadcast_in_dim3A_347 : vector<256x1xf32> to vector<256x1024xf32>
    %eq3A_349 = arith.cmpf oeq, %select_n3A_344, %eq3A_348 : vector<256x1024xf32>
    %jit3A_350 = arith.constant 1024 : i32
    %broadcast_in_dim3A_351 = vector.broadcast %jit3A_350 : i32 to vector<256x1024xi32>
    %select_n3A_352 = arith.select %eq3A_349, %iota3A, %broadcast_in_dim3A_351 : vector<256x1024xi1>, vector<256x1024xi32>
    %reduce_min3A_353 = arith.constant dense<2147483647> : vector<256xi32>
    %reduce_min3A_354 = vector.multi_reduction <minsi>, %select_n3A_352, %reduce_min3A_353 [1] : vector<256x1024xi32> to vector<256xi32>
    %broadcast_in_dim3A_355 = vector.shape_cast %reduce_min3A_354 : vector<256xi32> to vector<256x1xi32>
    %eq3A_356 = vector.broadcast %broadcast_in_dim3A_355 : vector<256x1xi32> to vector<256x1024xi32>
    %eq3A_357 = arith.cmpi eq, %iota3A, %eq3A_356 : vector<256x1024xi32>
    %jit3A_358 = arith.constant 0x7F800000 : f32
    %broadcast_in_dim3A_359 = vector.broadcast %jit3A_358 : f32 to vector<256x1024xf32>
    %select_n3A_360 = arith.select %eq3A_357, %broadcast_in_dim3A_359, %select_n3A_344 : vector<256x1024xi1>, vector<256x1024xf32>
    %reduce_min3A_361 = arith.constant dense<0x7F800000> : vector<256xf32>
    %reduce_min3A_362 = vector.multi_reduction <minimumf>, %select_n3A_360, %reduce_min3A_361 [1] : vector<256x1024xf32> to vector<256xf32>
    %broadcast_in_dim3A_363 = vector.shape_cast %reduce_min3A_362 : vector<256xf32> to vector<256x1xf32>
    %eq3A_364 = vector.broadcast %broadcast_in_dim3A_363 : vector<256x1xf32> to vector<256x1024xf32>
    %eq3A_365 = arith.cmpf oeq, %select_n3A_360, %eq3A_364 : vector<256x1024xf32>
    %jit3A_366 = arith.constant 1024 : i32
    %broadcast_in_dim3A_367 = vector.broadcast %jit3A_366 : i32 to vector<256x1024xi32>
    %select_n3A_368 = arith.select %eq3A_365, %iota3A, %broadcast_in_dim3A_367 : vector<256x1024xi1>, vector<256x1024xi32>
    %reduce_min3A_369 = arith.constant dense<2147483647> : vector<256xi32>
    %reduce_min3A_370 = vector.multi_reduction <minsi>, %select_n3A_368, %reduce_min3A_369 [1] : vector<256x1024xi32> to vector<256xi32>
    %broadcast_in_dim3A_371 = vector.shape_cast %reduce_min3A_370 : vector<256xi32> to vector<256x1xi32>
    %eq3A_372 = vector.broadcast %broadcast_in_dim3A_371 : vector<256x1xi32> to vector<256x1024xi32>
    %eq3A_373 = arith.cmpi eq, %iota3A, %eq3A_372 : vector<256x1024xi32>
    %jit3A_374 = arith.constant 0x7F800000 : f32
    %broadcast_in_dim3A_375 = vector.broadcast %jit3A_374 : f32 to vector<256x1024xf32>
    %select_n3A_376 = arith.select %eq3A_373, %broadcast_in_dim3A_375, %select_n3A_360 : vector<256x1024xi1>, vector<256x1024xf32>
    %reduce_min3A_377 = arith.constant dense<0x7F800000> : vector<256xf32>
    %reduce_min3A_378 = vector.multi_reduction <minimumf>, %select_n3A_376, %reduce_min3A_377 [1] : vector<256x1024xf32> to vector<256xf32>
    %broadcast_in_dim3A_379 = vector.shape_cast %reduce_min3A_378 : vector<256xf32> to vector<256x1xf32>
    %eq3A_380 = vector.broadcast %broadcast_in_dim3A_379 : vector<256x1xf32> to vector<256x1024xf32>
    %eq3A_381 = arith.cmpf oeq, %select_n3A_376, %eq3A_380 : vector<256x1024xf32>
    %jit3A_382 = arith.constant 1024 : i32
    %broadcast_in_dim3A_383 = vector.broadcast %jit3A_382 : i32 to vector<256x1024xi32>
    %select_n3A_384 = arith.select %eq3A_381, %iota3A, %broadcast_in_dim3A_383 : vector<256x1024xi1>, vector<256x1024xi32>
    %reduce_min3A_385 = arith.constant dense<2147483647> : vector<256xi32>
    %reduce_min3A_386 = vector.multi_reduction <minsi>, %select_n3A_384, %reduce_min3A_385 [1] : vector<256x1024xi32> to vector<256xi32>
    %broadcast_in_dim3A_387 = vector.shape_cast %reduce_min3A_386 : vector<256xi32> to vector<256x1xi32>
    %eq3A_388 = vector.broadcast %broadcast_in_dim3A_387 : vector<256x1xi32> to vector<256x1024xi32>
    %eq3A_389 = arith.cmpi eq, %iota3A, %eq3A_388 : vector<256x1024xi32>
    %jit3A_390 = arith.constant 0x7F800000 : f32
    %broadcast_in_dim3A_391 = vector.broadcast %jit3A_390 : f32 to vector<256x1024xf32>
    %select_n3A_392 = arith.select %eq3A_389, %broadcast_in_dim3A_391, %select_n3A_376 : vector<256x1024xi1>, vector<256x1024xf32>
    %reduce_min3A_393 = arith.constant dense<0x7F800000> : vector<256xf32>
    %reduce_min3A_394 = vector.multi_reduction <minimumf>, %select_n3A_392, %reduce_min3A_393 [1] : vector<256x1024xf32> to vector<256xf32>
    %broadcast_in_dim3A_395 = vector.shape_cast %reduce_min3A_394 : vector<256xf32> to vector<256x1xf32>
    %eq3A_396 = vector.broadcast %broadcast_in_dim3A_395 : vector<256x1xf32> to vector<256x1024xf32>
    %eq3A_397 = arith.cmpf oeq, %select_n3A_392, %eq3A_396 : vector<256x1024xf32>
    %jit3A_398 = arith.constant 1024 : i32
    %broadcast_in_dim3A_399 = vector.broadcast %jit3A_398 : i32 to vector<256x1024xi32>
    %select_n3A_400 = arith.select %eq3A_397, %iota3A, %broadcast_in_dim3A_399 : vector<256x1024xi1>, vector<256x1024xi32>
    %reduce_min3A_401 = arith.constant dense<2147483647> : vector<256xi32>
    %reduce_min3A_402 = vector.multi_reduction <minsi>, %select_n3A_400, %reduce_min3A_401 [1] : vector<256x1024xi32> to vector<256xi32>
    %broadcast_in_dim3A_403 = vector.shape_cast %reduce_min3A_402 : vector<256xi32> to vector<256x1xi32>
    %eq3A_404 = vector.broadcast %broadcast_in_dim3A_403 : vector<256x1xi32> to vector<256x1024xi32>
    %eq3A_405 = arith.cmpi eq, %iota3A, %eq3A_404 : vector<256x1024xi32>
    %jit3A_406 = arith.constant 0x7F800000 : f32
    %broadcast_in_dim3A_407 = vector.broadcast %jit3A_406 : f32 to vector<256x1024xf32>
    %select_n3A_408 = arith.select %eq3A_405, %broadcast_in_dim3A_407, %select_n3A_392 : vector<256x1024xi1>, vector<256x1024xf32>
    %reduce_min3A_409 = arith.constant dense<0x7F800000> : vector<256xf32>
    %reduce_min3A_410 = vector.multi_reduction <minimumf>, %select_n3A_408, %reduce_min3A_409 [1] : vector<256x1024xf32> to vector<256xf32>
    %broadcast_in_dim3A_411 = vector.shape_cast %reduce_min3A_410 : vector<256xf32> to vector<256x1xf32>
    %eq3A_412 = vector.broadcast %broadcast_in_dim3A_411 : vector<256x1xf32> to vector<256x1024xf32>
    %eq3A_413 = arith.cmpf oeq, %select_n3A_408, %eq3A_412 : vector<256x1024xf32>
    %jit3A_414 = arith.constant 1024 : i32
    %broadcast_in_dim3A_415 = vector.broadcast %jit3A_414 : i32 to vector<256x1024xi32>
    %select_n3A_416 = arith.select %eq3A_413, %iota3A, %broadcast_in_dim3A_415 : vector<256x1024xi1>, vector<256x1024xi32>
    %reduce_min3A_417 = arith.constant dense<2147483647> : vector<256xi32>
    %reduce_min3A_418 = vector.multi_reduction <minsi>, %select_n3A_416, %reduce_min3A_417 [1] : vector<256x1024xi32> to vector<256xi32>
    %broadcast_in_dim3A_419 = vector.shape_cast %reduce_min3A_418 : vector<256xi32> to vector<256x1xi32>
    %eq3A_420 = vector.broadcast %broadcast_in_dim3A_419 : vector<256x1xi32> to vector<256x1024xi32>
    %eq3A_421 = arith.cmpi eq, %iota3A, %eq3A_420 : vector<256x1024xi32>
    %jit3A_422 = arith.constant 0x7F800000 : f32
    %broadcast_in_dim3A_423 = vector.broadcast %jit3A_422 : f32 to vector<256x1024xf32>
    %select_n3A_424 = arith.select %eq3A_421, %broadcast_in_dim3A_423, %select_n3A_408 : vector<256x1024xi1>, vector<256x1024xf32>
    %reduce_min3A_425 = arith.constant dense<0x7F800000> : vector<256xf32>
    %reduce_min3A_426 = vector.multi_reduction <minimumf>, %select_n3A_424, %reduce_min3A_425 [1] : vector<256x1024xf32> to vector<256xf32>
    %broadcast_in_dim3A_427 = vector.shape_cast %reduce_min3A_426 : vector<256xf32> to vector<256x1xf32>
    %eq3A_428 = vector.broadcast %broadcast_in_dim3A_427 : vector<256x1xf32> to vector<256x1024xf32>
    %eq3A_429 = arith.cmpf oeq, %select_n3A_424, %eq3A_428 : vector<256x1024xf32>
    %jit3A_430 = arith.constant 1024 : i32
    %broadcast_in_dim3A_431 = vector.broadcast %jit3A_430 : i32 to vector<256x1024xi32>
    %select_n3A_432 = arith.select %eq3A_429, %iota3A, %broadcast_in_dim3A_431 : vector<256x1024xi1>, vector<256x1024xi32>
    %reduce_min3A_433 = arith.constant dense<2147483647> : vector<256xi32>
    %reduce_min3A_434 = vector.multi_reduction <minsi>, %select_n3A_432, %reduce_min3A_433 [1] : vector<256x1024xi32> to vector<256xi32>
    %broadcast_in_dim3A_435 = vector.shape_cast %reduce_min3A_434 : vector<256xi32> to vector<256x1xi32>
    %eq3A_436 = vector.broadcast %broadcast_in_dim3A_435 : vector<256x1xi32> to vector<256x1024xi32>
    %eq3A_437 = arith.cmpi eq, %iota3A, %eq3A_436 : vector<256x1024xi32>
    %jit3A_438 = arith.constant 0x7F800000 : f32
    %broadcast_in_dim3A_439 = vector.broadcast %jit3A_438 : f32 to vector<256x1024xf32>
    %select_n3A_440 = arith.select %eq3A_437, %broadcast_in_dim3A_439, %select_n3A_424 : vector<256x1024xi1>, vector<256x1024xf32>
    %reduce_min3A_441 = arith.constant dense<0x7F800000> : vector<256xf32>
    %reduce_min3A_442 = vector.multi_reduction <minimumf>, %select_n3A_440, %reduce_min3A_441 [1] : vector<256x1024xf32> to vector<256xf32>
    %broadcast_in_dim3A_443 = vector.shape_cast %reduce_min3A_442 : vector<256xf32> to vector<256x1xf32>
    %eq3A_444 = vector.broadcast %broadcast_in_dim3A_443 : vector<256x1xf32> to vector<256x1024xf32>
    %eq3A_445 = arith.cmpf oeq, %select_n3A_440, %eq3A_444 : vector<256x1024xf32>
    %jit3A_446 = arith.constant 1024 : i32
    %broadcast_in_dim3A_447 = vector.broadcast %jit3A_446 : i32 to vector<256x1024xi32>
    %select_n3A_448 = arith.select %eq3A_445, %iota3A, %broadcast_in_dim3A_447 : vector<256x1024xi1>, vector<256x1024xi32>
    %reduce_min3A_449 = arith.constant dense<2147483647> : vector<256xi32>
    %reduce_min3A_450 = vector.multi_reduction <minsi>, %select_n3A_448, %reduce_min3A_449 [1] : vector<256x1024xi32> to vector<256xi32>
    %broadcast_in_dim3A_451 = vector.shape_cast %reduce_min3A_450 : vector<256xi32> to vector<256x1xi32>
    %eq3A_452 = vector.broadcast %broadcast_in_dim3A_451 : vector<256x1xi32> to vector<256x1024xi32>
    %eq3A_453 = arith.cmpi eq, %iota3A, %eq3A_452 : vector<256x1024xi32>
    %jit3A_454 = arith.constant 0x7F800000 : f32
    %broadcast_in_dim3A_455 = vector.broadcast %jit3A_454 : f32 to vector<256x1024xf32>
    %select_n3A_456 = arith.select %eq3A_453, %broadcast_in_dim3A_455, %select_n3A_440 : vector<256x1024xi1>, vector<256x1024xf32>
    %reduce_min3A_457 = arith.constant dense<0x7F800000> : vector<256xf32>
    %reduce_min3A_458 = vector.multi_reduction <minimumf>, %select_n3A_456, %reduce_min3A_457 [1] : vector<256x1024xf32> to vector<256xf32>
    %broadcast_in_dim3A_459 = vector.shape_cast %reduce_min3A_458 : vector<256xf32> to vector<256x1xf32>
    %eq3A_460 = vector.broadcast %broadcast_in_dim3A_459 : vector<256x1xf32> to vector<256x1024xf32>
    %eq3A_461 = arith.cmpf oeq, %select_n3A_456, %eq3A_460 : vector<256x1024xf32>
    %jit3A_462 = arith.constant 1024 : i32
    %broadcast_in_dim3A_463 = vector.broadcast %jit3A_462 : i32 to vector<256x1024xi32>
    %select_n3A_464 = arith.select %eq3A_461, %iota3A, %broadcast_in_dim3A_463 : vector<256x1024xi1>, vector<256x1024xi32>
    %reduce_min3A_465 = arith.constant dense<2147483647> : vector<256xi32>
    %reduce_min3A_466 = vector.multi_reduction <minsi>, %select_n3A_464, %reduce_min3A_465 [1] : vector<256x1024xi32> to vector<256xi32>
    %broadcast_in_dim3A_467 = vector.shape_cast %reduce_min3A_466 : vector<256xi32> to vector<256x1xi32>
    %eq3A_468 = vector.broadcast %broadcast_in_dim3A_467 : vector<256x1xi32> to vector<256x1024xi32>
    %eq3A_469 = arith.cmpi eq, %iota3A, %eq3A_468 : vector<256x1024xi32>
    %jit3A_470 = arith.constant 0x7F800000 : f32
    %broadcast_in_dim3A_471 = vector.broadcast %jit3A_470 : f32 to vector<256x1024xf32>
    %select_n3A_472 = arith.select %eq3A_469, %broadcast_in_dim3A_471, %select_n3A_456 : vector<256x1024xi1>, vector<256x1024xf32>
    %reduce_min3A_473 = arith.constant dense<0x7F800000> : vector<256xf32>
    %reduce_min3A_474 = vector.multi_reduction <minimumf>, %select_n3A_472, %reduce_min3A_473 [1] : vector<256x1024xf32> to vector<256xf32>
    %broadcast_in_dim3A_475 = vector.shape_cast %reduce_min3A_474 : vector<256xf32> to vector<256x1xf32>
    %eq3A_476 = vector.broadcast %broadcast_in_dim3A_475 : vector<256x1xf32> to vector<256x1024xf32>
    %eq3A_477 = arith.cmpf oeq, %select_n3A_472, %eq3A_476 : vector<256x1024xf32>
    %jit3A_478 = arith.constant 1024 : i32
    %broadcast_in_dim3A_479 = vector.broadcast %jit3A_478 : i32 to vector<256x1024xi32>
    %select_n3A_480 = arith.select %eq3A_477, %iota3A, %broadcast_in_dim3A_479 : vector<256x1024xi1>, vector<256x1024xi32>
    %reduce_min3A_481 = arith.constant dense<2147483647> : vector<256xi32>
    %reduce_min3A_482 = vector.multi_reduction <minsi>, %select_n3A_480, %reduce_min3A_481 [1] : vector<256x1024xi32> to vector<256xi32>
    %broadcast_in_dim3A_483 = vector.shape_cast %reduce_min3A_482 : vector<256xi32> to vector<256x1xi32>
    %eq3A_484 = vector.broadcast %broadcast_in_dim3A_483 : vector<256x1xi32> to vector<256x1024xi32>
    %eq3A_485 = arith.cmpi eq, %iota3A, %eq3A_484 : vector<256x1024xi32>
    %jit3A_486 = arith.constant 0x7F800000 : f32
    %broadcast_in_dim3A_487 = vector.broadcast %jit3A_486 : f32 to vector<256x1024xf32>
    %select_n3A_488 = arith.select %eq3A_485, %broadcast_in_dim3A_487, %select_n3A_472 : vector<256x1024xi1>, vector<256x1024xf32>
    %reduce_min3A_489 = arith.constant dense<0x7F800000> : vector<256xf32>
    %reduce_min3A_490 = vector.multi_reduction <minimumf>, %select_n3A_488, %reduce_min3A_489 [1] : vector<256x1024xf32> to vector<256xf32>
    %broadcast_in_dim3A_491 = vector.shape_cast %reduce_min3A_490 : vector<256xf32> to vector<256x1xf32>
    %eq3A_492 = vector.broadcast %broadcast_in_dim3A_491 : vector<256x1xf32> to vector<256x1024xf32>
    %eq3A_493 = arith.cmpf oeq, %select_n3A_488, %eq3A_492 : vector<256x1024xf32>
    %jit3A_494 = arith.constant 1024 : i32
    %broadcast_in_dim3A_495 = vector.broadcast %jit3A_494 : i32 to vector<256x1024xi32>
    %select_n3A_496 = arith.select %eq3A_493, %iota3A, %broadcast_in_dim3A_495 : vector<256x1024xi1>, vector<256x1024xi32>
    %reduce_min3A_497 = arith.constant dense<2147483647> : vector<256xi32>
    %reduce_min3A_498 = vector.multi_reduction <minsi>, %select_n3A_496, %reduce_min3A_497 [1] : vector<256x1024xi32> to vector<256xi32>
    %broadcast_in_dim3A_499 = vector.shape_cast %reduce_min3A_498 : vector<256xi32> to vector<256x1xi32>
    %concatenate3A = tpu.concatenate %broadcast_in_dim3A_35, %broadcast_in_dim3A_51, %broadcast_in_dim3A_67, %broadcast_in_dim3A_83, %broadcast_in_dim3A_99, %broadcast_in_dim3A_115, %broadcast_in_dim3A_131, %broadcast_in_dim3A_147, %broadcast_in_dim3A_163, %broadcast_in_dim3A_179, %broadcast_in_dim3A_195, %broadcast_in_dim3A_211, %broadcast_in_dim3A_227, %broadcast_in_dim3A_243, %broadcast_in_dim3A_259, %broadcast_in_dim3A_275, %broadcast_in_dim3A_291, %broadcast_in_dim3A_307, %broadcast_in_dim3A_323, %broadcast_in_dim3A_339, %broadcast_in_dim3A_355, %broadcast_in_dim3A_371, %broadcast_in_dim3A_387, %broadcast_in_dim3A_403, %broadcast_in_dim3A_419, %broadcast_in_dim3A_435, %broadcast_in_dim3A_451, %broadcast_in_dim3A_467, %broadcast_in_dim3A_483, %broadcast_in_dim3A_499 in 1 : vector<256x1xi32>, vector<256x1xi32>, vector<256x1xi32>, vector<256x1xi32>, vector<256x1xi32>, vector<256x1xi32>, vector<256x1xi32>, vector<256x1xi32>, vector<256x1xi32>, vector<256x1xi32>, vector<256x1xi32>, vector<256x1xi32>, vector<256x1xi32>, vector<256x1xi32>, vector<256x1xi32>, vector<256x1xi32>, vector<256x1xi32>, vector<256x1xi32>, vector<256x1xi32>, vector<256x1xi32>, vector<256x1xi32>, vector<256x1xi32>, vector<256x1xi32>, vector<256x1xi32>, vector<256x1xi32>, vector<256x1xi32>, vector<256x1xi32>, vector<256x1xi32>, vector<256x1xi32>, vector<256x1xi32> -> vector<256x30xi32>
    %concatenate3A_500 = tpu.concatenate %broadcast_in_dim3A, %broadcast_in_dim3A_43, %broadcast_in_dim3A_59, %broadcast_in_dim3A_75, %broadcast_in_dim3A_91, %broadcast_in_dim3A_107, %broadcast_in_dim3A_123, %broadcast_in_dim3A_139, %broadcast_in_dim3A_155, %broadcast_in_dim3A_171, %broadcast_in_dim3A_187, %broadcast_in_dim3A_203, %broadcast_in_dim3A_219, %broadcast_in_dim3A_235, %broadcast_in_dim3A_251, %broadcast_in_dim3A_267, %broadcast_in_dim3A_283, %broadcast_in_dim3A_299, %broadcast_in_dim3A_315, %broadcast_in_dim3A_331, %broadcast_in_dim3A_347, %broadcast_in_dim3A_363, %broadcast_in_dim3A_379, %broadcast_in_dim3A_395, %broadcast_in_dim3A_411, %broadcast_in_dim3A_427, %broadcast_in_dim3A_443, %broadcast_in_dim3A_459, %broadcast_in_dim3A_475, %broadcast_in_dim3A_491 in 1 : vector<256x1xf32>, vector<256x1xf32>, vector<256x1xf32>, vector<256x1xf32>, vector<256x1xf32>, vector<256x1xf32>, vector<256x1xf32>, vector<256x1xf32>, vector<256x1xf32>, vector<256x1xf32>, vector<256x1xf32>, vector<256x1xf32>, vector<256x1xf32>, vector<256x1xf32>, vector<256x1xf32>, vector<256x1xf32>, vector<256x1xf32>, vector<256x1xf32>, vector<256x1xf32>, vector<256x1xf32>, vector<256x1xf32>, vector<256x1xf32>, vector<256x1xf32>, vector<256x1xf32>, vector<256x1xf32>, vector<256x1xf32>, vector<256x1xf32>, vector<256x1xf32>, vector<256x1xf32>, vector<256x1xf32> -> vector<256x30xf32>
    %swap3A = arith.constant 0 : index
    %swap3A_501 = arith.constant 0 : index
    %swap3A_502 = arith.constant 0 : index
    %swap3A_503 = vector.load %arg4[%swap3A, %swap3A_501, %swap3A_502] : memref<1x256x30xf32, #tpu.memory_space<vmem>>, vector<1x256x30xf32>
    %swap3A_504 = vector.shape_cast %swap3A_503 : vector<1x256x30xf32> to vector<256x30xf32>
    %swap3A_505 = vector.shape_cast %concatenate3A_500 : vector<256x30xf32> to vector<1x256x30xf32>
    tpu.vector_store %arg4[%swap3A, %swap3A_501, %swap3A_502], %swap3A_505 {strides = array<i32>} : memref<1x256x30xf32, #tpu.memory_space<vmem>>, vector<1x256x30xf32>,
    %swap3A_506 = arith.constant 0 : index
    %swap3A_507 = arith.constant 0 : index
    %swap3A_508 = arith.constant 0 : index
    %swap3A_509 = vector.load %arg5[%swap3A_506, %swap3A_507, %swap3A_508] : memref<1x256x30xi32, #tpu.memory_space<vmem>>, vector<1x256x30xi32>
    %swap3A_510 = vector.shape_cast %swap3A_509 : vector<1x256x30xi32> to vector<256x30xi32>
    %swap3A_511 = vector.shape_cast %concatenate3A : vector<256x30xi32> to vector<1x256x30xi32>
    tpu.vector_store %arg5[%swap3A_506, %swap3A_507, %swap3A_508], %swap3A_511 {strides = array<i32>} : memref<1x256x30xi32, #tpu.memory_space<vmem>>, vector<1x256x30xi32>,
    %mul3A_512 = arith.constant 1024 : i32
    %mul3A_513 = arith.muli %arg0, %mul3A_512 : i32
    %add3A_514 = vector.broadcast %mul3A_513 : i32 to vector<256x30xi32>
    %add3A_515 = arith.addi %concatenate3A, %add3A_514 : vector<256x30xi32>
    %swap3A_516 = arith.constant 0 : index
    %swap3A_517 = arith.constant 0 : index
    %swap3A_518 = arith.constant 0 : index
    %swap3A_519 = vector.load %arg6[%swap3A_516, %swap3A_517, %swap3A_518] : memref<1x256x30xi32, #tpu.memory_space<vmem>>, vector<1x256x30xi32>
    %swap3A_520 = vector.shape_cast %swap3A_519 : vector<1x256x30xi32> to vector<256x30xi32>
    %swap3A_521 = vector.shape_cast %add3A_515 : vector<256x30xi32> to vector<1x256x30xi32>
    tpu.vector_store %arg6[%swap3A_516, %swap3A_517, %swap3A_518], %swap3A_521 {strides = array<i32>} : memref<1x256x30xi32, #tpu.memory_space<vmem>>, vector<1x256x30xi32>,
    %iota3A_522 = tpu.iota {dimensions = array<i32: 0>} : vector<256x1xi32>
    %add3A_523 = vector.broadcast %mul3A_0 : i32 to vector<256x1xi32>
    %add3A_524 = arith.addi %iota3A_522, %add3A_523 : vector<256x1xi32>
    %sub3A_525 = vector.broadcast %add3A_524 : vector<256x1xi32> to vector<256x30xi32>
    %sub3A_526 = arith.subi %sub3A_525, %concatenate3A : vector<256x30xi32>
    %add3A_527 = arith.constant 32 : i32
    %add3A_528 = vector.broadcast %add3A_527 : i32 to vector<256x30xi32>
    %add3A_529 = arith.addi %sub3A_526, %add3A_528 : vector<256x30xi32>
    %jit3A_530 = arith.constant 0 : i32
    %jit3A_531 = arith.constant 64 : i32
    %max3A = vector.broadcast %jit3A_530 : i32 to vector<256x30xi32>
    %max3A_532 = arith.maxsi %max3A, %add3A_529 : vector<256x30xi32>
    %min3A = vector.broadcast %jit3A_531 : i32 to vector<256x30xi32>
    %min3A_533 = arith.minsi %min3A, %max3A_532 : vector<256x30xi32>
    %swap3A_534 = arith.constant 0 : index
    %swap3A_535 = arith.constant 0 : index
    %swap3A_536 = arith.constant 0 : index
    %swap3A_537 = vector.load %arg7[%swap3A_534, %swap3A_535, %swap3A_536] : memref<1x256x30xi32, #tpu.memory_space<vmem>>, vector<1x256x30xi32>
    %swap3A_538 = vector.shape_cast %swap3A_537 : vector<1x256x30xi32> to vector<256x30xi32>
    %swap3A_539 = vector.shape_cast %min3A_533 : vector<256x30xi32> to vector<1x256x30xi32>
    tpu.vector_store %arg7[%swap3A_534, %swap3A_535, %swap3A_536], %swap3A_539 {strides = array<i32>} : memref<1x256x30xi32, #tpu.memory_space<vmem>>, vector<1x256x30xi32>,
    return
  }
  func.func @transform_0(%arg0: i32, %arg1: i32) -> (i32, i32, i32) {
    %c0_i32 = arith.constant 0 : i32
    %c0_i32_0 = arith.constant 0 : i32
    return %arg0, %arg1, %c0_i32 : i32, i32, i32
  }
  func.func @transform_1(%arg0: i32, %arg1: i32) -> (i32, i32, i32) {
    %c0_i32 = arith.constant 0 : i32
    %c0_i32_0 = arith.constant 0 : i32
    %c0_i32_1 = arith.constant 0 : i32
    return %arg0, %c0_i32, %c0_i32_0 : i32, i32, i32
  }
  func.func @transform_2(%arg0: i32, %arg1: i32) -> (i32, i32, i32) {
    %c0_i32 = arith.constant 0 : i32
    %c0_i32_0 = arith.constant 0 : i32
    return %arg0, %arg1, %c0_i32 : i32, i32, i32
  }
  func.func @transform_3(%arg0: i32, %arg1: i32) -> (i32, i32, i32) {
    %c0_i32 = arith.constant 0 : i32
    %c0_i32_0 = arith.constant 0 : i32
    return %arg0, %arg1, %c0_i32 : i32, i32, i32
  }
  func.func @transform_4(%arg0: i32, %arg1: i32) -> (i32, i32, i32) {
    %c0_i32 = arith.constant 0 : i32
    %c0_i32_0 = arith.constant 0 : i32
    return %arg0, %arg1, %c0_i32 : i32, i32, i32
  }
  func.func @transform_5(%arg0: i32, %arg1: i32) -> (i32, i32, i32) {
    %c0_i32 = arith.constant 0 : i32
    %c0_i32_0 = arith.constant 0 : i32
    return %arg0, %arg1, %c0_i32 : i32, i32, i32
  }
}

module attributes {stable_mosaic.version = 14 : i64} {
  func.func @_edge_body(%arg0: i32, %arg1: i32, %arg2: memref<1x3840x16xf32, #tpu.memory_space<vmem>>, %arg3: memref<1x128x16xf32, #tpu.memory_space<vmem>>, %arg4: memref<1x1x3840xf32, #tpu.memory_space<vmem>>, %arg5: memref<1x1x3840xi32, #tpu.memory_space<vmem>>, %arg6: memref<66x16xf32, #tpu.memory_space<vmem>>, %arg7: memref<1x16xf32, #tpu.memory_space<vmem>>, %arg8: memref<39x128xf32, #tpu.memory_space<vmem>>, %arg9: memref<1x128xf32, #tpu.memory_space<vmem>>, %arg10: memref<128x128xf32, #tpu.memory_space<vmem>>, %arg11: memref<1x128xf32, #tpu.memory_space<vmem>>, %arg12: memref<1x128xf32, #tpu.memory_space<vmem>>, %arg13: memref<1x128xf32, #tpu.memory_space<vmem>>, %arg14: memref<1x3840x128xf32, #tpu.memory_space<vmem>>) attributes {dimension_semantics = [#tpu.dimension_semantics<arbitrary>, #tpu.dimension_semantics<arbitrary>], iteration_bounds = array<i64: 8, 8>, scalar_prefetch = 0 : i64, scratch_operands = 0 : i64, tpu.core_type = #tpu.core_type<tc>, window_params = [{transform_indices = @transform_0, window_bounds = array<i64: 1, 3840, 16>}, {transform_indices = @transform_1, window_bounds = array<i64: 1, 128, 16>}, {transform_indices = @transform_2, window_bounds = array<i64: 1, 1, 3840>}, {transform_indices = @transform_3, window_bounds = array<i64: 1, 1, 3840>}, {pipeline_mode = #tpu.pipeline_mode<synchronous>, transform_indices = @transform_4, window_bounds = array<i64: 66, 16>}, {pipeline_mode = #tpu.pipeline_mode<synchronous>, transform_indices = @transform_5, window_bounds = array<i64: 1, 16>}, {pipeline_mode = #tpu.pipeline_mode<synchronous>, transform_indices = @transform_6, window_bounds = array<i64: 39, 128>}, {pipeline_mode = #tpu.pipeline_mode<synchronous>, transform_indices = @transform_7, window_bounds = array<i64: 1, 128>}, {pipeline_mode = #tpu.pipeline_mode<synchronous>, transform_indices = @transform_8, window_bounds = array<i64: 128, 128>}, {pipeline_mode = #tpu.pipeline_mode<synchronous>, transform_indices = @transform_9, window_bounds = array<i64: 1, 128>}, {pipeline_mode = #tpu.pipeline_mode<synchronous>, transform_indices = @transform_10, window_bounds = array<i64: 1, 128>}, {pipeline_mode = #tpu.pipeline_mode<synchronous>, transform_indices = @transform_11, window_bounds = array<i64: 1, 128>}, {transform_indices = @transform_12, window_bounds = array<i64: 1, 3840, 128>}]} {
    %get3A = arith.constant 0 : index
    %get3A_0 = arith.constant 0 : index
    %get3A_1 = arith.constant 0 : index
    %get3A_2 = vector.load %arg2[%get3A, %get3A_0, %get3A_1] : memref<1x3840x16xf32, #tpu.memory_space<vmem>>, vector<1x3840x16xf32>
    %get3A_3 = vector.shape_cast %get3A_2 : vector<1x3840x16xf32> to vector<3840x16xf32>
    %get3A_4 = arith.constant 0 : index
    %get3A_5 = arith.constant 0 : index
    %get3A_6 = arith.constant 0 : index
    %get3A_7 = vector.load %arg3[%get3A_4, %get3A_5, %get3A_6] : memref<1x128x16xf32, #tpu.memory_space<vmem>>, vector<1x128x16xf32>
    %get3A_8 = vector.shape_cast %get3A_7 : vector<1x128x16xf32> to vector<128x16xf32>
    %broadcast_in_dim3A = vector.shape_cast %get3A_8 : vector<128x16xf32> to vector<128x1x16xf32>
    %broadcast_in_dim3A_9 = vector.shape_cast %broadcast_in_dim3A : vector<128x1x16xf32> to vector<128x1x16xf32>
    %broadcast_in_dim3A_10 = vector.broadcast %broadcast_in_dim3A_9 : vector<128x1x16xf32> to vector<128x30x16xf32>
    %reshape3A = vector.shape_cast %broadcast_in_dim3A_10 : vector<128x30x16xf32> to vector<3840x16xf32>
    %slice3A = vector.extract_strided_slice %get3A_3 {offsets = [0, 0], sizes = [3840, 12], strides = [1, 1]} : vector<3840x16xf32> to vector<3840x12xf32>
    %transpose3A = tpu.transpose %slice3A, [1, 0] : vector<3840x12xf32> -> vector<12x3840xf32>
    %slice3A_11 = vector.extract_strided_slice %reshape3A {offsets = [0, 0], sizes = [3840, 12], strides = [1, 1]} : vector<3840x16xf32> to vector<3840x12xf32>
    %transpose3A_12 = tpu.transpose %slice3A_11, [1, 0] : vector<3840x12xf32> -> vector<12x3840xf32>
    %slice3A_13 = vector.extract_strided_slice %transpose3A_12 {offsets = [3, 0], sizes = [1, 3840], strides = [1, 1]} : vector<12x3840xf32> to vector<1x3840xf32>
    %convert_element_type3A = arith.truncf %slice3A_13 : vector<1x3840xf32> to vector<1x3840xbf16>
    %convert_element_type3A_14 = arith.extf %convert_element_type3A : vector<1x3840xbf16> to vector<1x3840xf32>
    %slice3A_15 = vector.extract_strided_slice %transpose3A_12 {offsets = [4, 0], sizes = [1, 3840], strides = [1, 1]} : vector<12x3840xf32> to vector<1x3840xf32>
    %convert_element_type3A_16 = arith.truncf %slice3A_15 : vector<1x3840xf32> to vector<1x3840xbf16>
    %convert_element_type3A_17 = arith.extf %convert_element_type3A_16 : vector<1x3840xbf16> to vector<1x3840xf32>
    %slice3A_18 = vector.extract_strided_slice %transpose3A_12 {offsets = [5, 0], sizes = [1, 3840], strides = [1, 1]} : vector<12x3840xf32> to vector<1x3840xf32>
    %convert_element_type3A_19 = arith.truncf %slice3A_18 : vector<1x3840xf32> to vector<1x3840xbf16>
    %convert_element_type3A_20 = arith.extf %convert_element_type3A_19 : vector<1x3840xbf16> to vector<1x3840xf32>
    %slice3A_21 = vector.extract_strided_slice %transpose3A_12 {offsets = [6, 0], sizes = [1, 3840], strides = [1, 1]} : vector<12x3840xf32> to vector<1x3840xf32>
    %convert_element_type3A_22 = arith.truncf %slice3A_21 : vector<1x3840xf32> to vector<1x3840xbf16>
    %convert_element_type3A_23 = arith.extf %convert_element_type3A_22 : vector<1x3840xbf16> to vector<1x3840xf32>
    %slice3A_24 = vector.extract_strided_slice %transpose3A_12 {offsets = [7, 0], sizes = [1, 3840], strides = [1, 1]} : vector<12x3840xf32> to vector<1x3840xf32>
    %convert_element_type3A_25 = arith.truncf %slice3A_24 : vector<1x3840xf32> to vector<1x3840xbf16>
    %convert_element_type3A_26 = arith.extf %convert_element_type3A_25 : vector<1x3840xbf16> to vector<1x3840xf32>
    %slice3A_27 = vector.extract_strided_slice %transpose3A_12 {offsets = [8, 0], sizes = [1, 3840], strides = [1, 1]} : vector<12x3840xf32> to vector<1x3840xf32>
    %convert_element_type3A_28 = arith.truncf %slice3A_27 : vector<1x3840xf32> to vector<1x3840xbf16>
    %convert_element_type3A_29 = arith.extf %convert_element_type3A_28 : vector<1x3840xbf16> to vector<1x3840xf32>
    %slice3A_30 = vector.extract_strided_slice %transpose3A_12 {offsets = [9, 0], sizes = [1, 3840], strides = [1, 1]} : vector<12x3840xf32> to vector<1x3840xf32>
    %convert_element_type3A_31 = arith.truncf %slice3A_30 : vector<1x3840xf32> to vector<1x3840xbf16>
    %convert_element_type3A_32 = arith.extf %convert_element_type3A_31 : vector<1x3840xbf16> to vector<1x3840xf32>
    %slice3A_33 = vector.extract_strided_slice %transpose3A_12 {offsets = [10, 0], sizes = [1, 3840], strides = [1, 1]} : vector<12x3840xf32> to vector<1x3840xf32>
    %convert_element_type3A_34 = arith.truncf %slice3A_33 : vector<1x3840xf32> to vector<1x3840xbf16>
    %convert_element_type3A_35 = arith.extf %convert_element_type3A_34 : vector<1x3840xbf16> to vector<1x3840xf32>
    %slice3A_36 = vector.extract_strided_slice %transpose3A_12 {offsets = [11, 0], sizes = [1, 3840], strides = [1, 1]} : vector<12x3840xf32> to vector<1x3840xf32>
    %convert_element_type3A_37 = arith.truncf %slice3A_36 : vector<1x3840xf32> to vector<1x3840xbf16>
    %convert_element_type3A_38 = arith.extf %convert_element_type3A_37 : vector<1x3840xbf16> to vector<1x3840xf32>
    %slice3A_39 = vector.extract_strided_slice %transpose3A {offsets = [3, 0], sizes = [1, 3840], strides = [1, 1]} : vector<12x3840xf32> to vector<1x3840xf32>
    %convert_element_type3A_40 = arith.truncf %slice3A_39 : vector<1x3840xf32> to vector<1x3840xbf16>
    %convert_element_type3A_41 = arith.extf %convert_element_type3A_40 : vector<1x3840xbf16> to vector<1x3840xf32>
    %slice3A_42 = vector.extract_strided_slice %transpose3A {offsets = [4, 0], sizes = [1, 3840], strides = [1, 1]} : vector<12x3840xf32> to vector<1x3840xf32>
    %convert_element_type3A_43 = arith.truncf %slice3A_42 : vector<1x3840xf32> to vector<1x3840xbf16>
    %convert_element_type3A_44 = arith.extf %convert_element_type3A_43 : vector<1x3840xbf16> to vector<1x3840xf32>
    %slice3A_45 = vector.extract_strided_slice %transpose3A {offsets = [5, 0], sizes = [1, 3840], strides = [1, 1]} : vector<12x3840xf32> to vector<1x3840xf32>
    %convert_element_type3A_46 = arith.truncf %slice3A_45 : vector<1x3840xf32> to vector<1x3840xbf16>
    %convert_element_type3A_47 = arith.extf %convert_element_type3A_46 : vector<1x3840xbf16> to vector<1x3840xf32>
    %slice3A_48 = vector.extract_strided_slice %transpose3A {offsets = [6, 0], sizes = [1, 3840], strides = [1, 1]} : vector<12x3840xf32> to vector<1x3840xf32>
    %convert_element_type3A_49 = arith.truncf %slice3A_48 : vector<1x3840xf32> to vector<1x3840xbf16>
    %convert_element_type3A_50 = arith.extf %convert_element_type3A_49 : vector<1x3840xbf16> to vector<1x3840xf32>
    %slice3A_51 = vector.extract_strided_slice %transpose3A {offsets = [7, 0], sizes = [1, 3840], strides = [1, 1]} : vector<12x3840xf32> to vector<1x3840xf32>
    %convert_element_type3A_52 = arith.truncf %slice3A_51 : vector<1x3840xf32> to vector<1x3840xbf16>
    %convert_element_type3A_53 = arith.extf %convert_element_type3A_52 : vector<1x3840xbf16> to vector<1x3840xf32>
    %slice3A_54 = vector.extract_strided_slice %transpose3A {offsets = [8, 0], sizes = [1, 3840], strides = [1, 1]} : vector<12x3840xf32> to vector<1x3840xf32>
    %convert_element_type3A_55 = arith.truncf %slice3A_54 : vector<1x3840xf32> to vector<1x3840xbf16>
    %convert_element_type3A_56 = arith.extf %convert_element_type3A_55 : vector<1x3840xbf16> to vector<1x3840xf32>
    %slice3A_57 = vector.extract_strided_slice %transpose3A {offsets = [9, 0], sizes = [1, 3840], strides = [1, 1]} : vector<12x3840xf32> to vector<1x3840xf32>
    %convert_element_type3A_58 = arith.truncf %slice3A_57 : vector<1x3840xf32> to vector<1x3840xbf16>
    %convert_element_type3A_59 = arith.extf %convert_element_type3A_58 : vector<1x3840xbf16> to vector<1x3840xf32>
    %slice3A_60 = vector.extract_strided_slice %transpose3A {offsets = [10, 0], sizes = [1, 3840], strides = [1, 1]} : vector<12x3840xf32> to vector<1x3840xf32>
    %convert_element_type3A_61 = arith.truncf %slice3A_60 : vector<1x3840xf32> to vector<1x3840xbf16>
    %convert_element_type3A_62 = arith.extf %convert_element_type3A_61 : vector<1x3840xbf16> to vector<1x3840xf32>
    %slice3A_63 = vector.extract_strided_slice %transpose3A {offsets = [11, 0], sizes = [1, 3840], strides = [1, 1]} : vector<12x3840xf32> to vector<1x3840xf32>
    %convert_element_type3A_64 = arith.truncf %slice3A_63 : vector<1x3840xf32> to vector<1x3840xbf16>
    %convert_element_type3A_65 = arith.extf %convert_element_type3A_64 : vector<1x3840xbf16> to vector<1x3840xf32>
    %slice3A_66 = vector.extract_strided_slice %transpose3A {offsets = [0, 0], sizes = [1, 3840], strides = [1, 1]} : vector<12x3840xf32> to vector<1x3840xf32>
    %slice3A_67 = vector.extract_strided_slice %transpose3A_12 {offsets = [0, 0], sizes = [1, 3840], strides = [1, 1]} : vector<12x3840xf32> to vector<1x3840xf32>
    %sub3A = arith.subf %slice3A_66, %slice3A_67 : vector<1x3840xf32>
    %convert_element_type3A_68 = arith.truncf %sub3A : vector<1x3840xf32> to vector<1x3840xbf16>
    %convert_element_type3A_69 = arith.extf %convert_element_type3A_68 : vector<1x3840xbf16> to vector<1x3840xf32>
    %slice3A_70 = vector.extract_strided_slice %transpose3A {offsets = [1, 0], sizes = [1, 3840], strides = [1, 1]} : vector<12x3840xf32> to vector<1x3840xf32>
    %slice3A_71 = vector.extract_strided_slice %transpose3A_12 {offsets = [1, 0], sizes = [1, 3840], strides = [1, 1]} : vector<12x3840xf32> to vector<1x3840xf32>
    %sub3A_72 = arith.subf %slice3A_70, %slice3A_71 : vector<1x3840xf32>
    %convert_element_type3A_73 = arith.truncf %sub3A_72 : vector<1x3840xf32> to vector<1x3840xbf16>
    %convert_element_type3A_74 = arith.extf %convert_element_type3A_73 : vector<1x3840xbf16> to vector<1x3840xf32>
    %slice3A_75 = vector.extract_strided_slice %transpose3A {offsets = [2, 0], sizes = [1, 3840], strides = [1, 1]} : vector<12x3840xf32> to vector<1x3840xf32>
    %slice3A_76 = vector.extract_strided_slice %transpose3A_12 {offsets = [2, 0], sizes = [1, 3840], strides = [1, 1]} : vector<12x3840xf32> to vector<1x3840xf32>
    %sub3A_77 = arith.subf %slice3A_75, %slice3A_76 : vector<1x3840xf32>
    %convert_element_type3A_78 = arith.truncf %sub3A_77 : vector<1x3840xf32> to vector<1x3840xbf16>
    %convert_element_type3A_79 = arith.extf %convert_element_type3A_78 : vector<1x3840xbf16> to vector<1x3840xf32>
    %mul3A = arith.mulf %convert_element_type3A_14, %convert_element_type3A_69 : vector<1x3840xf32>
    %mul3A_80 = arith.mulf %convert_element_type3A_17, %convert_element_type3A_74 : vector<1x3840xf32>
    %add3A = arith.addf %mul3A, %mul3A_80 : vector<1x3840xf32>
    %mul3A_81 = arith.mulf %convert_element_type3A_20, %convert_element_type3A_79 : vector<1x3840xf32>
    %add3A_82 = arith.addf %add3A, %mul3A_81 : vector<1x3840xf32>
    %mul3A_83 = arith.mulf %convert_element_type3A_23, %convert_element_type3A_69 : vector<1x3840xf32>
    %mul3A_84 = arith.mulf %convert_element_type3A_26, %convert_element_type3A_74 : vector<1x3840xf32>
    %add3A_85 = arith.addf %mul3A_83, %mul3A_84 : vector<1x3840xf32>
    %mul3A_86 = arith.mulf %convert_element_type3A_29, %convert_element_type3A_79 : vector<1x3840xf32>
    %add3A_87 = arith.addf %add3A_85, %mul3A_86 : vector<1x3840xf32>
    %mul3A_88 = arith.mulf %convert_element_type3A_32, %convert_element_type3A_69 : vector<1x3840xf32>
    %mul3A_89 = arith.mulf %convert_element_type3A_35, %convert_element_type3A_74 : vector<1x3840xf32>
    %add3A_90 = arith.addf %mul3A_88, %mul3A_89 : vector<1x3840xf32>
    %mul3A_91 = arith.mulf %convert_element_type3A_38, %convert_element_type3A_79 : vector<1x3840xf32>
    %add3A_92 = arith.addf %add3A_90, %mul3A_91 : vector<1x3840xf32>
    %mul3A_93 = arith.mulf %add3A_82, %add3A_82 : vector<1x3840xf32>
    %mul3A_94 = arith.mulf %add3A_87, %add3A_87 : vector<1x3840xf32>
    %add3A_95 = arith.addf %mul3A_93, %mul3A_94 : vector<1x3840xf32>
    %mul3A_96 = arith.mulf %add3A_92, %add3A_92 : vector<1x3840xf32>
    %add3A_97 = arith.addf %add3A_95, %mul3A_96 : vector<1x3840xf32>
    %sqrt3A = math.sqrt %add3A_97 : vector<1x3840xf32>
    %max3A = arith.constant 9.99999996E-13 : f32
    %max3A_98 = vector.broadcast %max3A : f32 to vector<1x3840xf32>
    %max3A_99 = arith.maximumf %sqrt3A, %max3A_98 : vector<1x3840xf32>
    %div3A = arith.constant 1.000000e+00 : f32
    %div3A_100 = vector.broadcast %div3A : f32 to vector<1x3840xf32>
    %div3A_101 = arith.divf %div3A_100, %max3A_99 : vector<1x3840xf32>
    %mul3A_102 = arith.mulf %add3A_82, %div3A_101 : vector<1x3840xf32>
    %mul3A_103 = arith.mulf %add3A_87, %div3A_101 : vector<1x3840xf32>
    %mul3A_104 = arith.mulf %add3A_92, %div3A_101 : vector<1x3840xf32>
    %mul3A_105 = arith.mulf %convert_element_type3A_14, %convert_element_type3A_41 : vector<1x3840xf32>
    %mul3A_106 = arith.mulf %convert_element_type3A_23, %convert_element_type3A_50 : vector<1x3840xf32>
    %add3A_107 = arith.addf %mul3A_105, %mul3A_106 : vector<1x3840xf32>
    %mul3A_108 = arith.mulf %convert_element_type3A_32, %convert_element_type3A_59 : vector<1x3840xf32>
    %add3A_109 = arith.addf %add3A_107, %mul3A_108 : vector<1x3840xf32>
    %mul3A_110 = arith.mulf %convert_element_type3A_14, %convert_element_type3A_44 : vector<1x3840xf32>
    %mul3A_111 = arith.mulf %convert_element_type3A_23, %convert_element_type3A_53 : vector<1x3840xf32>
    %add3A_112 = arith.addf %mul3A_110, %mul3A_111 : vector<1x3840xf32>
    %mul3A_113 = arith.mulf %convert_element_type3A_32, %convert_element_type3A_62 : vector<1x3840xf32>
    %add3A_114 = arith.addf %add3A_112, %mul3A_113 : vector<1x3840xf32>
    %mul3A_115 = arith.mulf %convert_element_type3A_14, %convert_element_type3A_47 : vector<1x3840xf32>
    %mul3A_116 = arith.mulf %convert_element_type3A_23, %convert_element_type3A_56 : vector<1x3840xf32>
    %add3A_117 = arith.addf %mul3A_115, %mul3A_116 : vector<1x3840xf32>
    %mul3A_118 = arith.mulf %convert_element_type3A_32, %convert_element_type3A_65 : vector<1x3840xf32>
    %add3A_119 = arith.addf %add3A_117, %mul3A_118 : vector<1x3840xf32>
    %mul3A_120 = arith.mulf %convert_element_type3A_17, %convert_element_type3A_41 : vector<1x3840xf32>
    %mul3A_121 = arith.mulf %convert_element_type3A_26, %convert_element_type3A_50 : vector<1x3840xf32>
    %add3A_122 = arith.addf %mul3A_120, %mul3A_121 : vector<1x3840xf32>
    %mul3A_123 = arith.mulf %convert_element_type3A_35, %convert_element_type3A_59 : vector<1x3840xf32>
    %add3A_124 = arith.addf %add3A_122, %mul3A_123 : vector<1x3840xf32>
    %mul3A_125 = arith.mulf %convert_element_type3A_17, %convert_element_type3A_44 : vector<1x3840xf32>
    %mul3A_126 = arith.mulf %convert_element_type3A_26, %convert_element_type3A_53 : vector<1x3840xf32>
    %add3A_127 = arith.addf %mul3A_125, %mul3A_126 : vector<1x3840xf32>
    %mul3A_128 = arith.mulf %convert_element_type3A_35, %convert_element_type3A_62 : vector<1x3840xf32>
    %add3A_129 = arith.addf %add3A_127, %mul3A_128 : vector<1x3840xf32>
    %mul3A_130 = arith.mulf %convert_element_type3A_17, %convert_element_type3A_47 : vector<1x3840xf32>
    %mul3A_131 = arith.mulf %convert_element_type3A_26, %convert_element_type3A_56 : vector<1x3840xf32>
    %add3A_132 = arith.addf %mul3A_130, %mul3A_131 : vector<1x3840xf32>
    %mul3A_133 = arith.mulf %convert_element_type3A_35, %convert_element_type3A_65 : vector<1x3840xf32>
    %add3A_134 = arith.addf %add3A_132, %mul3A_133 : vector<1x3840xf32>
    %mul3A_135 = arith.mulf %convert_element_type3A_20, %convert_element_type3A_41 : vector<1x3840xf32>
    %mul3A_136 = arith.mulf %convert_element_type3A_29, %convert_element_type3A_50 : vector<1x3840xf32>
    %add3A_137 = arith.addf %mul3A_135, %mul3A_136 : vector<1x3840xf32>
    %mul3A_138 = arith.mulf %convert_element_type3A_38, %convert_element_type3A_59 : vector<1x3840xf32>
    %add3A_139 = arith.addf %add3A_137, %mul3A_138 : vector<1x3840xf32>
    %mul3A_140 = arith.mulf %convert_element_type3A_20, %convert_element_type3A_44 : vector<1x3840xf32>
    %mul3A_141 = arith.mulf %convert_element_type3A_29, %convert_element_type3A_53 : vector<1x3840xf32>
    %add3A_142 = arith.addf %mul3A_140, %mul3A_141 : vector<1x3840xf32>
    %mul3A_143 = arith.mulf %convert_element_type3A_38, %convert_element_type3A_62 : vector<1x3840xf32>
    %add3A_144 = arith.addf %add3A_142, %mul3A_143 : vector<1x3840xf32>
    %mul3A_145 = arith.mulf %convert_element_type3A_20, %convert_element_type3A_47 : vector<1x3840xf32>
    %mul3A_146 = arith.mulf %convert_element_type3A_29, %convert_element_type3A_56 : vector<1x3840xf32>
    %add3A_147 = arith.addf %mul3A_145, %mul3A_146 : vector<1x3840xf32>
    %mul3A_148 = arith.mulf %convert_element_type3A_38, %convert_element_type3A_65 : vector<1x3840xf32>
    %add3A_149 = arith.addf %add3A_147, %mul3A_148 : vector<1x3840xf32>
    %sub3A_150 = arith.subf %add3A_109, %add3A_129 : vector<1x3840xf32>
    %sub3A_151 = arith.subf %sub3A_150, %add3A_149 : vector<1x3840xf32>
    %sub3A_152 = arith.subf %add3A_129, %add3A_109 : vector<1x3840xf32>
    %sub3A_153 = arith.subf %sub3A_152, %add3A_149 : vector<1x3840xf32>
    %sub3A_154 = arith.subf %add3A_149, %add3A_109 : vector<1x3840xf32>
    %sub3A_155 = arith.subf %sub3A_154, %add3A_129 : vector<1x3840xf32>
    %sub3A_156 = arith.subf %add3A_144, %add3A_134 : vector<1x3840xf32>
    %sub3A_157 = arith.subf %add3A_119, %add3A_139 : vector<1x3840xf32>
    %sub3A_158 = arith.subf %add3A_124, %add3A_114 : vector<1x3840xf32>
    %sign3A = tpu.bitcast %sub3A_156 : vector<1x3840xf32> -> vector<1x3840xi32>
    %sign3A_159 = arith.constant -2147483648 : i32
    %sign3A_160 = vector.broadcast %sign3A_159 : i32 to vector<1x3840xi32>
    %sign3A_161 = arith.andi %sign3A, %sign3A_160 : vector<1x3840xi32>
    %sign3A_162 = arith.constant 1065353216 : i32
    %sign3A_163 = vector.broadcast %sign3A_162 : i32 to vector<1x3840xi32>
    %sign3A_164 = arith.ori %sign3A_163, %sign3A_161 : vector<1x3840xi32>
    %sign3A_165 = tpu.bitcast %sign3A_164 : vector<1x3840xi32> -> vector<1x3840xf32>
    %sign3A_166 = math.absf %sub3A_156 : vector<1x3840xf32>
    %sign3A_167 = arith.constant 0.000000e+00 : f32
    %sign3A_168 = vector.broadcast %sign3A_167 : f32 to vector<1x3840xf32>
    %sign3A_169 = arith.cmpf ogt, %sign3A_166, %sign3A_168 : vector<1x3840xf32>
    %sign3A_170 = arith.select %sign3A_169, %sign3A_165, %sub3A_156 : vector<1x3840xi1>, vector<1x3840xf32>
    %add3A_171 = arith.constant 1.000000e+00 : f32
    %add3A_172 = vector.broadcast %add3A_171 : f32 to vector<1x3840xf32>
    %add3A_173 = arith.addf %add3A_172, %sub3A_151 : vector<1x3840xf32>
    %abs3A = math.absf %add3A_173 : vector<1x3840xf32>
    %add3A_174 = arith.constant 9.99999997E-7 : f32
    %add3A_175 = vector.broadcast %add3A_174 : f32 to vector<1x3840xf32>
    %add3A_176 = arith.addf %abs3A, %add3A_175 : vector<1x3840xf32>
    %sqrt3A_177 = math.sqrt %add3A_176 : vector<1x3840xf32>
    %mul3A_178 = arith.constant 5.000000e-01 : f32
    %mul3A_179 = vector.broadcast %mul3A_178 : f32 to vector<1x3840xf32>
    %mul3A_180 = arith.mulf %mul3A_179, %sqrt3A_177 : vector<1x3840xf32>
    %mul3A_181 = arith.mulf %sign3A_170, %mul3A_180 : vector<1x3840xf32>
    %sign3A_182 = tpu.bitcast %sub3A_157 : vector<1x3840xf32> -> vector<1x3840xi32>
    %sign3A_183 = arith.constant -2147483648 : i32
    %sign3A_184 = vector.broadcast %sign3A_183 : i32 to vector<1x3840xi32>
    %sign3A_185 = arith.andi %sign3A_182, %sign3A_184 : vector<1x3840xi32>
    %sign3A_186 = arith.constant 1065353216 : i32
    %sign3A_187 = vector.broadcast %sign3A_186 : i32 to vector<1x3840xi32>
    %sign3A_188 = arith.ori %sign3A_187, %sign3A_185 : vector<1x3840xi32>
    %sign3A_189 = tpu.bitcast %sign3A_188 : vector<1x3840xi32> -> vector<1x3840xf32>
    %sign3A_190 = math.absf %sub3A_157 : vector<1x3840xf32>
    %sign3A_191 = arith.constant 0.000000e+00 : f32
    %sign3A_192 = vector.broadcast %sign3A_191 : f32 to vector<1x3840xf32>
    %sign3A_193 = arith.cmpf ogt, %sign3A_190, %sign3A_192 : vector<1x3840xf32>
    %sign3A_194 = arith.select %sign3A_193, %sign3A_189, %sub3A_157 : vector<1x3840xi1>, vector<1x3840xf32>
    %add3A_195 = arith.constant 1.000000e+00 : f32
    %add3A_196 = vector.broadcast %add3A_195 : f32 to vector<1x3840xf32>
    %add3A_197 = arith.addf %add3A_196, %sub3A_153 : vector<1x3840xf32>
    %abs3A_198 = math.absf %add3A_197 : vector<1x3840xf32>
    %add3A_199 = arith.constant 9.99999997E-7 : f32
    %add3A_200 = vector.broadcast %add3A_199 : f32 to vector<1x3840xf32>
    %add3A_201 = arith.addf %abs3A_198, %add3A_200 : vector<1x3840xf32>
    %sqrt3A_202 = math.sqrt %add3A_201 : vector<1x3840xf32>
    %mul3A_203 = arith.constant 5.000000e-01 : f32
    %mul3A_204 = vector.broadcast %mul3A_203 : f32 to vector<1x3840xf32>
    %mul3A_205 = arith.mulf %mul3A_204, %sqrt3A_202 : vector<1x3840xf32>
    %mul3A_206 = arith.mulf %sign3A_194, %mul3A_205 : vector<1x3840xf32>
    %sign3A_207 = tpu.bitcast %sub3A_158 : vector<1x3840xf32> -> vector<1x3840xi32>
    %sign3A_208 = arith.constant -2147483648 : i32
    %sign3A_209 = vector.broadcast %sign3A_208 : i32 to vector<1x3840xi32>
    %sign3A_210 = arith.andi %sign3A_207, %sign3A_209 : vector<1x3840xi32>
    %sign3A_211 = arith.constant 1065353216 : i32
    %sign3A_212 = vector.broadcast %sign3A_211 : i32 to vector<1x3840xi32>
    %sign3A_213 = arith.ori %sign3A_212, %sign3A_210 : vector<1x3840xi32>
    %sign3A_214 = tpu.bitcast %sign3A_213 : vector<1x3840xi32> -> vector<1x3840xf32>
    %sign3A_215 = math.absf %sub3A_158 : vector<1x3840xf32>
    %sign3A_216 = arith.constant 0.000000e+00 : f32
    %sign3A_217 = vector.broadcast %sign3A_216 : f32 to vector<1x3840xf32>
    %sign3A_218 = arith.cmpf ogt, %sign3A_215, %sign3A_217 : vector<1x3840xf32>
    %sign3A_219 = arith.select %sign3A_218, %sign3A_214, %sub3A_158 : vector<1x3840xi1>, vector<1x3840xf32>
    %add3A_220 = arith.constant 1.000000e+00 : f32
    %add3A_221 = vector.broadcast %add3A_220 : f32 to vector<1x3840xf32>
    %add3A_222 = arith.addf %add3A_221, %sub3A_155 : vector<1x3840xf32>
    %abs3A_223 = math.absf %add3A_222 : vector<1x3840xf32>
    %add3A_224 = arith.constant 9.99999997E-7 : f32
    %add3A_225 = vector.broadcast %add3A_224 : f32 to vector<1x3840xf32>
    %add3A_226 = arith.addf %abs3A_223, %add3A_225 : vector<1x3840xf32>
    %sqrt3A_227 = math.sqrt %add3A_226 : vector<1x3840xf32>
    %mul3A_228 = arith.constant 5.000000e-01 : f32
    %mul3A_229 = vector.broadcast %mul3A_228 : f32 to vector<1x3840xf32>
    %mul3A_230 = arith.mulf %mul3A_229, %sqrt3A_227 : vector<1x3840xf32>
    %mul3A_231 = arith.mulf %sign3A_219, %mul3A_230 : vector<1x3840xf32>
    %add3A_232 = arith.addf %add3A_109, %add3A_129 : vector<1x3840xf32>
    %add3A_233 = arith.addf %add3A_232, %add3A_149 : vector<1x3840xf32>
    %add3A_234 = arith.constant 1.000000e+00 : f32
    %add3A_235 = vector.broadcast %add3A_234 : f32 to vector<1x3840xf32>
    %add3A_236 = arith.addf %add3A_235, %add3A_233 : vector<1x3840xf32>
    %max3A_237 = arith.constant 0.000000e+00 : f32
    %max3A_238 = vector.broadcast %max3A_237 : f32 to vector<1x3840xf32>
    %max3A_239 = arith.maximumf %add3A_236, %max3A_238 : vector<1x3840xf32>
    %add3A_240 = arith.constant 9.99999997E-7 : f32
    %add3A_241 = vector.broadcast %add3A_240 : f32 to vector<1x3840xf32>
    %add3A_242 = arith.addf %max3A_239, %add3A_241 : vector<1x3840xf32>
    %sqrt3A_243 = math.sqrt %add3A_242 : vector<1x3840xf32>
    %mul3A_244 = arith.constant 5.000000e-01 : f32
    %mul3A_245 = vector.broadcast %mul3A_244 : f32 to vector<1x3840xf32>
    %mul3A_246 = arith.mulf %mul3A_245, %sqrt3A_243 : vector<1x3840xf32>
    %mul3A_247 = arith.mulf %mul3A_181, %mul3A_181 : vector<1x3840xf32>
    %mul3A_248 = arith.mulf %mul3A_206, %mul3A_206 : vector<1x3840xf32>
    %add3A_249 = arith.addf %mul3A_247, %mul3A_248 : vector<1x3840xf32>
    %mul3A_250 = arith.mulf %mul3A_231, %mul3A_231 : vector<1x3840xf32>
    %add3A_251 = arith.addf %add3A_249, %mul3A_250 : vector<1x3840xf32>
    %mul3A_252 = arith.mulf %mul3A_246, %mul3A_246 : vector<1x3840xf32>
    %add3A_253 = arith.addf %add3A_251, %mul3A_252 : vector<1x3840xf32>
    %sqrt3A_254 = math.sqrt %add3A_253 : vector<1x3840xf32>
    %max3A_255 = arith.constant 9.99999996E-13 : f32
    %max3A_256 = vector.broadcast %max3A_255 : f32 to vector<1x3840xf32>
    %max3A_257 = arith.maximumf %sqrt3A_254, %max3A_256 : vector<1x3840xf32>
    %div3A_258 = arith.constant 1.000000e+00 : f32
    %div3A_259 = vector.broadcast %div3A_258 : f32 to vector<1x3840xf32>
    %div3A_260 = arith.divf %div3A_259, %max3A_257 : vector<1x3840xf32>
    %mul3A_261 = arith.mulf %mul3A_181, %div3A_260 : vector<1x3840xf32>
    %mul3A_262 = arith.mulf %mul3A_206, %div3A_260 : vector<1x3840xf32>
    %mul3A_263 = arith.mulf %mul3A_231, %div3A_260 : vector<1x3840xf32>
    %mul3A_264 = arith.mulf %mul3A_246, %div3A_260 : vector<1x3840xf32>
    %concatenate3A = tpu.concatenate %mul3A_102, %mul3A_103, %mul3A_104, %mul3A_261, %mul3A_262, %mul3A_263, %mul3A_264 in 0 : vector<1x3840xf32>, vector<1x3840xf32>, vector<1x3840xf32>, vector<1x3840xf32>, vector<1x3840xf32>, vector<1x3840xf32>, vector<1x3840xf32> -> vector<7x3840xf32>
    %transpose3A_265 = tpu.transpose %concatenate3A, [1, 0] : vector<7x3840xf32> -> vector<3840x7xf32>
    %get3A_266 = arith.constant 0 : index
    %get3A_267 = arith.constant 0 : index
    %get3A_268 = arith.constant 0 : index
    %get3A_269 = vector.load %arg4[%get3A_266, %get3A_267, %get3A_268] : memref<1x1x3840xf32, #tpu.memory_space<vmem>>, vector<1x1x3840xf32>
    %get3A_270 = vector.shape_cast %get3A_269 : vector<1x1x3840xf32> to vector<1x3840xf32>
    %sub3A_271 = arith.constant 2.000000e+00 : f32
    %sub3A_272 = vector.broadcast %sub3A_271 : f32 to vector<1x3840xf32>
    %sub3A_273 = arith.subf %get3A_270, %sub3A_272 : vector<1x3840xf32>
    %div3A_274 = arith.constant 1.250000e+00 : f32
    %div3A_275 = vector.broadcast %div3A_274 : f32 to vector<1x3840xf32>
    %div3A_276 = arith.divf %sub3A_273, %div3A_275 : vector<1x3840xf32>
    %integer_pow3A = arith.mulf %div3A_276, %div3A_276 : vector<1x3840xf32>
    %neg3A = arith.constant 0.000000e+00 : f32
    %neg3A_277 = vector.broadcast %neg3A : f32 to vector<1x3840xf32>
    %neg3A_278 = arith.subf %neg3A_277, %integer_pow3A : vector<1x3840xf32>
    %exp3A = math.exp %neg3A_278 : vector<1x3840xf32>
    %sub3A_279 = arith.constant 3.33333325 : f32
    %sub3A_280 = vector.broadcast %sub3A_279 : f32 to vector<1x3840xf32>
    %sub3A_281 = arith.subf %get3A_270, %sub3A_280 : vector<1x3840xf32>
    %div3A_282 = arith.constant 1.250000e+00 : f32
    %div3A_283 = vector.broadcast %div3A_282 : f32 to vector<1x3840xf32>
    %div3A_284 = arith.divf %sub3A_281, %div3A_283 : vector<1x3840xf32>
    %integer_pow3A_285 = arith.mulf %div3A_284, %div3A_284 : vector<1x3840xf32>
    %neg3A_286 = arith.constant 0.000000e+00 : f32
    %neg3A_287 = vector.broadcast %neg3A_286 : f32 to vector<1x3840xf32>
    %neg3A_288 = arith.subf %neg3A_287, %integer_pow3A_285 : vector<1x3840xf32>
    %exp3A_289 = math.exp %neg3A_288 : vector<1x3840xf32>
    %sub3A_290 = arith.constant 4.66666651 : f32
    %sub3A_291 = vector.broadcast %sub3A_290 : f32 to vector<1x3840xf32>
    %sub3A_292 = arith.subf %get3A_270, %sub3A_291 : vector<1x3840xf32>
    %div3A_293 = arith.constant 1.250000e+00 : f32
    %div3A_294 = vector.broadcast %div3A_293 : f32 to vector<1x3840xf32>
    %div3A_295 = arith.divf %sub3A_292, %div3A_294 : vector<1x3840xf32>
    %integer_pow3A_296 = arith.mulf %div3A_295, %div3A_295 : vector<1x3840xf32>
    %neg3A_297 = arith.constant 0.000000e+00 : f32
    %neg3A_298 = vector.broadcast %neg3A_297 : f32 to vector<1x3840xf32>
    %neg3A_299 = arith.subf %neg3A_298, %integer_pow3A_296 : vector<1x3840xf32>
    %exp3A_300 = math.exp %neg3A_299 : vector<1x3840xf32>
    %sub3A_301 = arith.constant 6.000000e+00 : f32
    %sub3A_302 = vector.broadcast %sub3A_301 : f32 to vector<1x3840xf32>
    %sub3A_303 = arith.subf %get3A_270, %sub3A_302 : vector<1x3840xf32>
    %div3A_304 = arith.constant 1.250000e+00 : f32
    %div3A_305 = vector.broadcast %div3A_304 : f32 to vector<1x3840xf32>
    %div3A_306 = arith.divf %sub3A_303, %div3A_305 : vector<1x3840xf32>
    %integer_pow3A_307 = arith.mulf %div3A_306, %div3A_306 : vector<1x3840xf32>
    %neg3A_308 = arith.constant 0.000000e+00 : f32
    %neg3A_309 = vector.broadcast %neg3A_308 : f32 to vector<1x3840xf32>
    %neg3A_310 = arith.subf %neg3A_309, %integer_pow3A_307 : vector<1x3840xf32>
    %exp3A_311 = math.exp %neg3A_310 : vector<1x3840xf32>
    %sub3A_312 = arith.constant 7.33333349 : f32
    %sub3A_313 = vector.broadcast %sub3A_312 : f32 to vector<1x3840xf32>
    %sub3A_314 = arith.subf %get3A_270, %sub3A_313 : vector<1x3840xf32>
    %div3A_315 = arith.constant 1.250000e+00 : f32
    %div3A_316 = vector.broadcast %div3A_315 : f32 to vector<1x3840xf32>
    %div3A_317 = arith.divf %sub3A_314, %div3A_316 : vector<1x3840xf32>
    %integer_pow3A_318 = arith.mulf %div3A_317, %div3A_317 : vector<1x3840xf32>
    %neg3A_319 = arith.constant 0.000000e+00 : f32
    %neg3A_320 = vector.broadcast %neg3A_319 : f32 to vector<1x3840xf32>
    %neg3A_321 = arith.subf %neg3A_320, %integer_pow3A_318 : vector<1x3840xf32>
    %exp3A_322 = math.exp %neg3A_321 : vector<1x3840xf32>
    %sub3A_323 = arith.constant 8.66666698 : f32
    %sub3A_324 = vector.broadcast %sub3A_323 : f32 to vector<1x3840xf32>
    %sub3A_325 = arith.subf %get3A_270, %sub3A_324 : vector<1x3840xf32>
    %div3A_326 = arith.constant 1.250000e+00 : f32
    %div3A_327 = vector.broadcast %div3A_326 : f32 to vector<1x3840xf32>
    %div3A_328 = arith.divf %sub3A_325, %div3A_327 : vector<1x3840xf32>
    %integer_pow3A_329 = arith.mulf %div3A_328, %div3A_328 : vector<1x3840xf32>
    %neg3A_330 = arith.constant 0.000000e+00 : f32
    %neg3A_331 = vector.broadcast %neg3A_330 : f32 to vector<1x3840xf32>
    %neg3A_332 = arith.subf %neg3A_331, %integer_pow3A_329 : vector<1x3840xf32>
    %exp3A_333 = math.exp %neg3A_332 : vector<1x3840xf32>
    %sub3A_334 = arith.constant 1.000000e+01 : f32
    %sub3A_335 = vector.broadcast %sub3A_334 : f32 to vector<1x3840xf32>
    %sub3A_336 = arith.subf %get3A_270, %sub3A_335 : vector<1x3840xf32>
    %div3A_337 = arith.constant 1.250000e+00 : f32
    %div3A_338 = vector.broadcast %div3A_337 : f32 to vector<1x3840xf32>
    %div3A_339 = arith.divf %sub3A_336, %div3A_338 : vector<1x3840xf32>
    %integer_pow3A_340 = arith.mulf %div3A_339, %div3A_339 : vector<1x3840xf32>
    %neg3A_341 = arith.constant 0.000000e+00 : f32
    %neg3A_342 = vector.broadcast %neg3A_341 : f32 to vector<1x3840xf32>
    %neg3A_343 = arith.subf %neg3A_342, %integer_pow3A_340 : vector<1x3840xf32>
    %exp3A_344 = math.exp %neg3A_343 : vector<1x3840xf32>
    %sub3A_345 = arith.constant 11.333333 : f32
    %sub3A_346 = vector.broadcast %sub3A_345 : f32 to vector<1x3840xf32>
    %sub3A_347 = arith.subf %get3A_270, %sub3A_346 : vector<1x3840xf32>
    %div3A_348 = arith.constant 1.250000e+00 : f32
    %div3A_349 = vector.broadcast %div3A_348 : f32 to vector<1x3840xf32>
    %div3A_350 = arith.divf %sub3A_347, %div3A_349 : vector<1x3840xf32>
    %integer_pow3A_351 = arith.mulf %div3A_350, %div3A_350 : vector<1x3840xf32>
    %neg3A_352 = arith.constant 0.000000e+00 : f32
    %neg3A_353 = vector.broadcast %neg3A_352 : f32 to vector<1x3840xf32>
    %neg3A_354 = arith.subf %neg3A_353, %integer_pow3A_351 : vector<1x3840xf32>
    %exp3A_355 = math.exp %neg3A_354 : vector<1x3840xf32>
    %sub3A_356 = arith.constant 12.666667 : f32
    %sub3A_357 = vector.broadcast %sub3A_356 : f32 to vector<1x3840xf32>
    %sub3A_358 = arith.subf %get3A_270, %sub3A_357 : vector<1x3840xf32>
    %div3A_359 = arith.constant 1.250000e+00 : f32
    %div3A_360 = vector.broadcast %div3A_359 : f32 to vector<1x3840xf32>
    %div3A_361 = arith.divf %sub3A_358, %div3A_360 : vector<1x3840xf32>
    %integer_pow3A_362 = arith.mulf %div3A_361, %div3A_361 : vector<1x3840xf32>
    %neg3A_363 = arith.constant 0.000000e+00 : f32
    %neg3A_364 = vector.broadcast %neg3A_363 : f32 to vector<1x3840xf32>
    %neg3A_365 = arith.subf %neg3A_364, %integer_pow3A_362 : vector<1x3840xf32>
    %exp3A_366 = math.exp %neg3A_365 : vector<1x3840xf32>
    %sub3A_367 = arith.constant 1.400000e+01 : f32
    %sub3A_368 = vector.broadcast %sub3A_367 : f32 to vector<1x3840xf32>
    %sub3A_369 = arith.subf %get3A_270, %sub3A_368 : vector<1x3840xf32>
    %div3A_370 = arith.constant 1.250000e+00 : f32
    %div3A_371 = vector.broadcast %div3A_370 : f32 to vector<1x3840xf32>
    %div3A_372 = arith.divf %sub3A_369, %div3A_371 : vector<1x3840xf32>
    %integer_pow3A_373 = arith.mulf %div3A_372, %div3A_372 : vector<1x3840xf32>
    %neg3A_374 = arith.constant 0.000000e+00 : f32
    %neg3A_375 = vector.broadcast %neg3A_374 : f32 to vector<1x3840xf32>
    %neg3A_376 = arith.subf %neg3A_375, %integer_pow3A_373 : vector<1x3840xf32>
    %exp3A_377 = math.exp %neg3A_376 : vector<1x3840xf32>
    %sub3A_378 = arith.constant 15.333333 : f32
    %sub3A_379 = vector.broadcast %sub3A_378 : f32 to vector<1x3840xf32>
    %sub3A_380 = arith.subf %get3A_270, %sub3A_379 : vector<1x3840xf32>
    %div3A_381 = arith.constant 1.250000e+00 : f32
    %div3A_382 = vector.broadcast %div3A_381 : f32 to vector<1x3840xf32>
    %div3A_383 = arith.divf %sub3A_380, %div3A_382 : vector<1x3840xf32>
    %integer_pow3A_384 = arith.mulf %div3A_383, %div3A_383 : vector<1x3840xf32>
    %neg3A_385 = arith.constant 0.000000e+00 : f32
    %neg3A_386 = vector.broadcast %neg3A_385 : f32 to vector<1x3840xf32>
    %neg3A_387 = arith.subf %neg3A_386, %integer_pow3A_384 : vector<1x3840xf32>
    %exp3A_388 = math.exp %neg3A_387 : vector<1x3840xf32>
    %sub3A_389 = arith.constant 16.666666 : f32
    %sub3A_390 = vector.broadcast %sub3A_389 : f32 to vector<1x3840xf32>
    %sub3A_391 = arith.subf %get3A_270, %sub3A_390 : vector<1x3840xf32>
    %div3A_392 = arith.constant 1.250000e+00 : f32
    %div3A_393 = vector.broadcast %div3A_392 : f32 to vector<1x3840xf32>
    %div3A_394 = arith.divf %sub3A_391, %div3A_393 : vector<1x3840xf32>
    %integer_pow3A_395 = arith.mulf %div3A_394, %div3A_394 : vector<1x3840xf32>
    %neg3A_396 = arith.constant 0.000000e+00 : f32
    %neg3A_397 = vector.broadcast %neg3A_396 : f32 to vector<1x3840xf32>
    %neg3A_398 = arith.subf %neg3A_397, %integer_pow3A_395 : vector<1x3840xf32>
    %exp3A_399 = math.exp %neg3A_398 : vector<1x3840xf32>
    %sub3A_400 = arith.constant 1.800000e+01 : f32
    %sub3A_401 = vector.broadcast %sub3A_400 : f32 to vector<1x3840xf32>
    %sub3A_402 = arith.subf %get3A_270, %sub3A_401 : vector<1x3840xf32>
    %div3A_403 = arith.constant 1.250000e+00 : f32
    %div3A_404 = vector.broadcast %div3A_403 : f32 to vector<1x3840xf32>
    %div3A_405 = arith.divf %sub3A_402, %div3A_404 : vector<1x3840xf32>
    %integer_pow3A_406 = arith.mulf %div3A_405, %div3A_405 : vector<1x3840xf32>
    %neg3A_407 = arith.constant 0.000000e+00 : f32
    %neg3A_408 = vector.broadcast %neg3A_407 : f32 to vector<1x3840xf32>
    %neg3A_409 = arith.subf %neg3A_408, %integer_pow3A_406 : vector<1x3840xf32>
    %exp3A_410 = math.exp %neg3A_409 : vector<1x3840xf32>
    %sub3A_411 = arith.constant 19.333334 : f32
    %sub3A_412 = vector.broadcast %sub3A_411 : f32 to vector<1x3840xf32>
    %sub3A_413 = arith.subf %get3A_270, %sub3A_412 : vector<1x3840xf32>
    %div3A_414 = arith.constant 1.250000e+00 : f32
    %div3A_415 = vector.broadcast %div3A_414 : f32 to vector<1x3840xf32>
    %div3A_416 = arith.divf %sub3A_413, %div3A_415 : vector<1x3840xf32>
    %integer_pow3A_417 = arith.mulf %div3A_416, %div3A_416 : vector<1x3840xf32>
    %neg3A_418 = arith.constant 0.000000e+00 : f32
    %neg3A_419 = vector.broadcast %neg3A_418 : f32 to vector<1x3840xf32>
    %neg3A_420 = arith.subf %neg3A_419, %integer_pow3A_417 : vector<1x3840xf32>
    %exp3A_421 = math.exp %neg3A_420 : vector<1x3840xf32>
    %sub3A_422 = arith.constant 20.666666 : f32
    %sub3A_423 = vector.broadcast %sub3A_422 : f32 to vector<1x3840xf32>
    %sub3A_424 = arith.subf %get3A_270, %sub3A_423 : vector<1x3840xf32>
    %div3A_425 = arith.constant 1.250000e+00 : f32
    %div3A_426 = vector.broadcast %div3A_425 : f32 to vector<1x3840xf32>
    %div3A_427 = arith.divf %sub3A_424, %div3A_426 : vector<1x3840xf32>
    %integer_pow3A_428 = arith.mulf %div3A_427, %div3A_427 : vector<1x3840xf32>
    %neg3A_429 = arith.constant 0.000000e+00 : f32
    %neg3A_430 = vector.broadcast %neg3A_429 : f32 to vector<1x3840xf32>
    %neg3A_431 = arith.subf %neg3A_430, %integer_pow3A_428 : vector<1x3840xf32>
    %exp3A_432 = math.exp %neg3A_431 : vector<1x3840xf32>
    %sub3A_433 = arith.constant 2.200000e+01 : f32
    %sub3A_434 = vector.broadcast %sub3A_433 : f32 to vector<1x3840xf32>
    %sub3A_435 = arith.subf %get3A_270, %sub3A_434 : vector<1x3840xf32>
    %div3A_436 = arith.constant 1.250000e+00 : f32
    %div3A_437 = vector.broadcast %div3A_436 : f32 to vector<1x3840xf32>
    %div3A_438 = arith.divf %sub3A_435, %div3A_437 : vector<1x3840xf32>
    %integer_pow3A_439 = arith.mulf %div3A_438, %div3A_438 : vector<1x3840xf32>
    %neg3A_440 = arith.constant 0.000000e+00 : f32
    %neg3A_441 = vector.broadcast %neg3A_440 : f32 to vector<1x3840xf32>
    %neg3A_442 = arith.subf %neg3A_441, %integer_pow3A_439 : vector<1x3840xf32>
    %exp3A_443 = math.exp %neg3A_442 : vector<1x3840xf32>
    %concatenate3A_444 = tpu.concatenate %exp3A, %exp3A_289, %exp3A_300, %exp3A_311, %exp3A_322, %exp3A_333, %exp3A_344, %exp3A_355, %exp3A_366, %exp3A_377, %exp3A_388, %exp3A_399, %exp3A_410, %exp3A_421, %exp3A_432, %exp3A_443 in 0 : vector<1x3840xf32>, vector<1x3840xf32>, vector<1x3840xf32>, vector<1x3840xf32>, vector<1x3840xf32>, vector<1x3840xf32>, vector<1x3840xf32>, vector<1x3840xf32>, vector<1x3840xf32>, vector<1x3840xf32>, vector<1x3840xf32>, vector<1x3840xf32>, vector<1x3840xf32>, vector<1x3840xf32>, vector<1x3840xf32>, vector<1x3840xf32> -> vector<16x3840xf32>
    %transpose3A_445 = tpu.transpose %concatenate3A_444, [1, 0] : vector<16x3840xf32> -> vector<3840x16xf32>
    %get3A_446 = arith.constant 0 : index
    %get3A_447 = arith.constant 0 : index
    %get3A_448 = arith.constant 0 : index
    %get3A_449 = vector.load %arg5[%get3A_446, %get3A_447, %get3A_448] : memref<1x1x3840xi32, #tpu.memory_space<vmem>>, vector<1x1x3840xi32>
    %get3A_450 = vector.shape_cast %get3A_449 : vector<1x1x3840xi32> to vector<1x3840xi32>
    %transpose3A_451 = tpu.transpose %get3A_450, [1, 0] : vector<1x3840xi32> -> vector<3840x1xi32>
    %iota3A = tpu.iota {dimensions = array<i32: 1>} : vector<3840x66xi32>
    %eq3A = vector.broadcast %transpose3A_451 : vector<3840x1xi32> to vector<3840x66xi32>
    %eq3A_452 = arith.cmpi eq, %iota3A, %eq3A : vector<3840x66xi32>
    %convert_element_type3A_453 = arith.extui %eq3A_452 : vector<3840x66xi1> to vector<3840x66xi32>
    %convert_element_type3A_454 = arith.sitofp %convert_element_type3A_453 : vector<3840x66xi32> to vector<3840x66xf32>
    %get3A_455 = arith.constant 0 : index
    %get3A_456 = arith.constant 0 : index
    %get3A_457 = vector.load %arg6[%get3A_455, %get3A_456] : memref<66x16xf32, #tpu.memory_space<vmem>>, vector<66x16xf32>
    %dot_general3A = arith.constant dense<0.000000e+00> : vector<3840x16xf32>
    %dot_general3A_458 = tpu.matmul %convert_element_type3A_454, %get3A_457, %dot_general3A {dimension_numbers = #tpu.dot_dimension_numbers<[1], [0], [0], [1], [0, 0, 1, 1], [], []>, precision = #tpu.contract_precision<fp32>, transpose_lhs_hint = false} : vector<3840x66xf32>, vector<66x16xf32>, vector<3840x16xf32> -> vector<3840x16xf32>
    %get3A_459 = arith.constant 0 : index
    %get3A_460 = arith.constant 0 : index
    %get3A_461 = vector.load %arg7[%get3A_459, %get3A_460] : memref<1x16xf32, #tpu.memory_space<vmem>>, vector<1x16xf32>
    %add3A_462 = vector.broadcast %get3A_461 : vector<1x16xf32> to vector<3840x16xf32>
    %add3A_463 = arith.addf %dot_general3A_458, %add3A_462 : vector<3840x16xf32>
    %concatenate3A_464 = tpu.concatenate %add3A_463, %transpose3A_445, %transpose3A_265 in 1 : vector<3840x16xf32>, vector<3840x16xf32>, vector<3840x7xf32> -> vector<3840x39xf32>
    %get3A_465 = arith.constant 0 : index
    %get3A_466 = arith.constant 0 : index
    %get3A_467 = vector.load %arg8[%get3A_465, %get3A_466] : memref<39x128xf32, #tpu.memory_space<vmem>>, vector<39x128xf32>
    %dot_general3A_468 = arith.constant dense<0.000000e+00> : vector<3840x128xf32>
    %dot_general3A_469 = tpu.matmul %concatenate3A_464, %get3A_467, %dot_general3A_468 {dimension_numbers = #tpu.dot_dimension_numbers<[1], [0], [0], [1], [0, 0, 1, 1], [], []>, precision = #tpu.contract_precision<fp32>, transpose_lhs_hint = false} : vector<3840x39xf32>, vector<39x128xf32>, vector<3840x128xf32> -> vector<3840x128xf32>
    %get3A_470 = arith.constant 0 : index
    %get3A_471 = arith.constant 0 : index
    %get3A_472 = vector.load %arg9[%get3A_470, %get3A_471] : memref<1x128xf32, #tpu.memory_space<vmem>>, vector<1x128xf32>
    %add3A_473 = vector.broadcast %get3A_472 : vector<1x128xf32> to vector<3840x128xf32>
    %add3A_474 = arith.addf %dot_general3A_469, %add3A_473 : vector<3840x128xf32>
    %get3A_475 = arith.constant 0 : index
    %get3A_476 = arith.constant 0 : index
    %get3A_477 = vector.load %arg10[%get3A_475, %get3A_476] : memref<128x128xf32, #tpu.memory_space<vmem>>, vector<128x128xf32>
    %dot_general3A_478 = arith.constant dense<0.000000e+00> : vector<3840x128xf32>
    %dot_general3A_479 = tpu.matmul %add3A_474, %get3A_477, %dot_general3A_478 {dimension_numbers = #tpu.dot_dimension_numbers<[1], [0], [0], [1], [0, 0, 1, 1], [], []>, precision = #tpu.contract_precision<fp32>, transpose_lhs_hint = false} : vector<3840x128xf32>, vector<128x128xf32>, vector<3840x128xf32> -> vector<3840x128xf32>
    %get3A_480 = arith.constant 0 : index
    %get3A_481 = arith.constant 0 : index
    %get3A_482 = vector.load %arg11[%get3A_480, %get3A_481] : memref<1x128xf32, #tpu.memory_space<vmem>>, vector<1x128xf32>
    %add3A_483 = vector.broadcast %get3A_482 : vector<1x128xf32> to vector<3840x128xf32>
    %add3A_484 = arith.addf %dot_general3A_479, %add3A_483 : vector<3840x128xf32>
    %reduce_sum3A = arith.constant dense<0.000000e+00> : vector<3840xf32>
    %reduce_sum3A_485 = vector.multi_reduction <add>, %add3A_484, %reduce_sum3A [1] : vector<3840x128xf32> to vector<3840xf32>
    %broadcast_in_dim3A_486 = vector.shape_cast %reduce_sum3A_485 : vector<3840xf32> to vector<3840x1xf32>
    %div3A_487 = arith.constant 1.280000e+02 : f32
    %div3A_488 = vector.broadcast %div3A_487 : f32 to vector<3840x1xf32>
    %div3A_489 = arith.divf %broadcast_in_dim3A_486, %div3A_488 : vector<3840x1xf32>
    %sub3A_490 = vector.broadcast %div3A_489 : vector<3840x1xf32> to vector<3840x128xf32>
    %sub3A_491 = arith.subf %add3A_484, %sub3A_490 : vector<3840x128xf32>
    %integer_pow3A_492 = arith.mulf %sub3A_491, %sub3A_491 : vector<3840x128xf32>
    %reduce_sum3A_493 = arith.constant dense<0.000000e+00> : vector<3840xf32>
    %reduce_sum3A_494 = vector.multi_reduction <add>, %integer_pow3A_492, %reduce_sum3A_493 [1] : vector<3840x128xf32> to vector<3840xf32>
    %broadcast_in_dim3A_495 = vector.shape_cast %reduce_sum3A_494 : vector<3840xf32> to vector<3840x1xf32>
    %div3A_496 = arith.constant 1.280000e+02 : f32
    %div3A_497 = vector.broadcast %div3A_496 : f32 to vector<3840x1xf32>
    %div3A_498 = arith.divf %broadcast_in_dim3A_495, %div3A_497 : vector<3840x1xf32>
    %sub3A_499 = vector.broadcast %div3A_489 : vector<3840x1xf32> to vector<3840x128xf32>
    %sub3A_500 = arith.subf %add3A_484, %sub3A_499 : vector<3840x128xf32>
    %add3A_501 = arith.constant 9.99999974E-6 : f32
    %add3A_502 = vector.broadcast %add3A_501 : f32 to vector<3840x1xf32>
    %add3A_503 = arith.addf %div3A_498, %add3A_502 : vector<3840x1xf32>
    %sqrt3A_504 = math.sqrt %add3A_503 : vector<3840x1xf32>
    %div3A_505 = vector.broadcast %sqrt3A_504 : vector<3840x1xf32> to vector<3840x128xf32>
    %div3A_506 = arith.divf %sub3A_500, %div3A_505 : vector<3840x128xf32>
    %get3A_507 = arith.constant 0 : index
    %get3A_508 = arith.constant 0 : index
    %get3A_509 = vector.load %arg12[%get3A_507, %get3A_508] : memref<1x128xf32, #tpu.memory_space<vmem>>, vector<1x128xf32>
    %mul3A_510 = vector.broadcast %get3A_509 : vector<1x128xf32> to vector<3840x128xf32>
    %mul3A_511 = arith.mulf %div3A_506, %mul3A_510 : vector<3840x128xf32>
    %get3A_512 = arith.constant 0 : index
    %get3A_513 = arith.constant 0 : index
    %get3A_514 = vector.load %arg13[%get3A_512, %get3A_513] : memref<1x128xf32, #tpu.memory_space<vmem>>, vector<1x128xf32>
    %add3A_515 = vector.broadcast %get3A_514 : vector<1x128xf32> to vector<3840x128xf32>
    %add3A_516 = arith.addf %mul3A_511, %add3A_515 : vector<3840x128xf32>
    %swap3A = arith.constant 0 : index
    %swap3A_517 = arith.constant 0 : index
    %swap3A_518 = arith.constant 0 : index
    %swap3A_519 = vector.load %arg14[%swap3A, %swap3A_517, %swap3A_518] : memref<1x3840x128xf32, #tpu.memory_space<vmem>>, vector<1x3840x128xf32>
    %swap3A_520 = vector.shape_cast %swap3A_519 : vector<1x3840x128xf32> to vector<3840x128xf32>
    %swap3A_521 = vector.shape_cast %add3A_516 : vector<3840x128xf32> to vector<1x3840x128xf32>
    tpu.vector_store %arg14[%swap3A, %swap3A_517, %swap3A_518], %swap3A_521 {strides = array<i32>} : memref<1x3840x128xf32, #tpu.memory_space<vmem>>, vector<1x3840x128xf32>,
    return
  }
  func.func @transform_0(%arg0: i32, %arg1: i32) -> (i32, i32, i32) {
    %c0_i32 = arith.constant 0 : i32
    %c0_i32_0 = arith.constant 0 : i32
    return %arg0, %arg1, %c0_i32 : i32, i32, i32
  }
  func.func @transform_1(%arg0: i32, %arg1: i32) -> (i32, i32, i32) {
    %c0_i32 = arith.constant 0 : i32
    %c0_i32_0 = arith.constant 0 : i32
    return %arg0, %arg1, %c0_i32 : i32, i32, i32
  }
  func.func @transform_2(%arg0: i32, %arg1: i32) -> (i32, i32, i32) {
    %c0_i32 = arith.constant 0 : i32
    %c0_i32_0 = arith.constant 0 : i32
    return %arg0, %c0_i32, %arg1 : i32, i32, i32
  }
  func.func @transform_3(%arg0: i32, %arg1: i32) -> (i32, i32, i32) {
    %c0_i32 = arith.constant 0 : i32
    %c0_i32_0 = arith.constant 0 : i32
    return %arg0, %c0_i32, %arg1 : i32, i32, i32
  }
  func.func @transform_4(%arg0: i32, %arg1: i32) -> (i32, i32) {
    %c0_i32 = arith.constant 0 : i32
    %c0_i32_0 = arith.constant 0 : i32
    %c0_i32_1 = arith.constant 0 : i32
    return %c0_i32, %c0_i32_0 : i32, i32
  }
  func.func @transform_5(%arg0: i32, %arg1: i32) -> (i32, i32) {
    %c0_i32 = arith.constant 0 : i32
    %c0_i32_0 = arith.constant 0 : i32
    %c0_i32_1 = arith.constant 0 : i32
    return %c0_i32, %c0_i32_0 : i32, i32
  }
  func.func @transform_6(%arg0: i32, %arg1: i32) -> (i32, i32) {
    %c0_i32 = arith.constant 0 : i32
    %c0_i32_0 = arith.constant 0 : i32
    %c0_i32_1 = arith.constant 0 : i32
    return %c0_i32, %c0_i32_0 : i32, i32
  }
  func.func @transform_7(%arg0: i32, %arg1: i32) -> (i32, i32) {
    %c0_i32 = arith.constant 0 : i32
    %c0_i32_0 = arith.constant 0 : i32
    %c0_i32_1 = arith.constant 0 : i32
    return %c0_i32, %c0_i32_0 : i32, i32
  }
  func.func @transform_8(%arg0: i32, %arg1: i32) -> (i32, i32) {
    %c0_i32 = arith.constant 0 : i32
    %c0_i32_0 = arith.constant 0 : i32
    %c0_i32_1 = arith.constant 0 : i32
    return %c0_i32, %c0_i32_0 : i32, i32
  }
  func.func @transform_9(%arg0: i32, %arg1: i32) -> (i32, i32) {
    %c0_i32 = arith.constant 0 : i32
    %c0_i32_0 = arith.constant 0 : i32
    %c0_i32_1 = arith.constant 0 : i32
    return %c0_i32, %c0_i32_0 : i32, i32
  }
  func.func @transform_10(%arg0: i32, %arg1: i32) -> (i32, i32) {
    %c0_i32 = arith.constant 0 : i32
    %c0_i32_0 = arith.constant 0 : i32
    %c0_i32_1 = arith.constant 0 : i32
    return %c0_i32, %c0_i32_0 : i32, i32
  }
  func.func @transform_11(%arg0: i32, %arg1: i32) -> (i32, i32) {
    %c0_i32 = arith.constant 0 : i32
    %c0_i32_0 = arith.constant 0 : i32
    %c0_i32_1 = arith.constant 0 : i32
    return %c0_i32, %c0_i32_0 : i32, i32
  }
  func.func @transform_12(%arg0: i32, %arg1: i32) -> (i32, i32, i32) {
    %c0_i32 = arith.constant 0 : i32
    %c0_i32_0 = arith.constant 0 : i32
    return %arg0, %arg1, %c0_i32 : i32, i32, i32
  }
}

</mosaic_0001>

<sc_bundles>
// kernel: kernel.6.cloned.1.call-start
scs
__scs_entry_jumppad:
0x0: {  	(pc) =	sbr.rel $0x88, $3  }
0x1: {  	(tag) =	ssettag $0x0;
	lr =	simm.s32 $0x1  }
0x2: {  	[smem:$0x3F92] =	sst lr;
	_ =	strace $0xD0000000  }
0x3: {  	_ = 	snop  }
0x4: {  	_ = 	snop  }
0x5: {  	_ = 	snop  }
0x6: {  	_ = 	snop  }
0x7: {  	_ = 	snop  }
__scs_overlays_trampoline_lowered:
0x8: {  	[smem:$0x3FA1] =	sst s0  }
0x9: {  	[smem:$0x3FA2] =	sst s1  }
0xa: {  	[smem:$0x3FA3] =	sst s2  }
0xb: {  	[smem:$0x3FA4] =	sst s3  }
0xc: {  	[smem:$0x3FA5] =	sst s4  }
0xd: {  	[smem:$0x3FA6] =	sst s5  }
0xe: {  	[smem:$0x3FA7] =	sst s6  }
0xf: {  	[smem:$0x3FA8] =	sst s7  }
0x10: {  	[smem:$0x3FA9] =	sst s8  }
0x11: {  	[smem:$0x3FAA] =	sst s9;
	s0 =	simm.s32 @!p0 $0x0  }
0x12: {  	s1 =	sld [smem:$0x3F90];
	s0 =	simm.s32 @p0 $0x1  }
0x13: {  	[smem:$0x3FAB] =	sst s0;
	s0 =	simm.s32 @!p1 $0x0  }
0x14: {  	s2 =	sld [smem:$0x3F8F];
	s0 =	simm.s32 @p1 $0x1  }
0x15: {  	[smem:$0x3FAC] =	sst s0;
	s0 =	simm.s32 @!p2 $0x0  }
0x16: {  	s3 =	sld [smem:$0x3FDB];
	s0 =	simm.s32 @p2 $0x1  }
0x17: {  	s4 =	simm.s32 $0x1BF5;
	[smem:$0x3FAE] =	sst s0  }
0x18: {  	s0 =	sld [smem:$0x3F91];
	_ =	swait.ge [sflag:s4], $0x0  }
0x19: {  	s7 =	sld [smem:$0x3F92]  }
0x1a: {  	s8 =	sadd.s32 $0xFFFFE003, lr  }
0x1b: {  	s9 =	sadd.s32 $0xFFFFFEF7, lr;
	s5 =	simm.s32 $0xFFFFFFFF;
	p2 =	slt.u32 s8, $0xFFFFF086  }
0x1c: {  	p1 =	slt.u32 s9, $0xF7A;
	s5 =	simm.s32 @!p2 $0x0  }
0x1d: {  	s5 =	simm.s32 @p1 $0x1;
	p0 =	seq.s32 s7, s2  }
0x1e: {  	s7 =	smul.u32 @!p0 $0xF7A, s2;
	p2 =	seq.s32 @!p0 s5, $0x0  }
0x1f: {  	s9 =	smul.u32 $0xF7A, s1;
	s8 =	simm.s32 @!p0 $0x1BF5;
	p2 =	por !p2, p0  }
0x20: {  	[sflag:s8] =	ssyncset.s32 @!p0 $0xFFFFF086;
	s6 =	sadd.s32 @!p0 s3, s7;
	s7 =	simm.s32 @!p0 $0x108  }
0x21: {  	s3 =	sadd.s32 s3, s9;
	s6 =	sadd.s32 @!p0 $0x88, s6;
	s7 =	simm.s32 @p2 $0x1082  }
0x22: {  	[simem:s7], [sflag:s8] =	dma.local @!p0 [hbm:s6], $0xF7A  }
0x23: {  	s9 =	sor.u32 $0xD0000000, s2;
	s6 =	simm.s32 $0x108;
	_ =	swait.ge @!p0 [sflag:s8], $0x0  }
0x24: {  	s3 =	sadd.s32 $0x88, s3;
	s6 =	simm.s32 @!p1 $0x1082;
	[sflag:s4] =	ssyncset.s32 $0xFFFFF086  }
0x25: {  	[simem:s6], [sflag:s4] =	dma.local [hbm:s3], $0xF7A  }
0x26: {  	[smem:$0x3F92] =	sst s1;
	(tag) =	ssettag s2;
	_ =	strace s9  }
0x27: {  	s1 =	sld [smem:$0x3FA2]  }
0x28: {  	s2 =	sld [smem:$0x3FA3]  }
0x29: {  	s4 =	sld [smem:$0x3FA5]  }
0x2a: {  	p0 =	seq.s32 s5, $0x0;
	s5 =	sld [smem:$0x3FA6]  }
0x2b: {  	s6 =	sld [smem:$0x3FA7]  }
0x2c: {  	s7 =	sld [smem:$0x3FA8]  }
0x2d: {  	s3 =	simm.s32 $0x108;
	s8 =	sld [smem:$0x3FA9]  }
0x2e: {  	s3 =	simm.s32 @!p0 $0x1082;
	s9 =	sld [smem:$0x3FAA]  }
0x2f: {  	lr =	sadd.s32 s0, s3;
	s0 =	sld [smem:$0x3FA1]  }
0x30: {  	s3 =	sld [smem:$0x3FA4]  }
0x31: {  	[smem:$0x3FAD] =	sst s10  }
0x32: {  	s10 =	sld [smem:$0x3FAB];
	_ =	sdelay $0x3  }
0x33: {  	p0 =	seq.s32 s10, $0x1;
	s10 =	sld [smem:$0x3FAD];
	_ =	sdelay $0x3  }
0x34: {  	[smem:$0x3FAD] =	sst s10  }
0x35: {  	s10 =	sld [smem:$0x3FAC];
	_ =	sdelay $0x3  }
0x36: {  	p1 =	seq.s32 s10, $0x1;
	s10 =	sld [smem:$0x3FAD];
	_ =	sdelay $0x3  }
0x37: {  	[smem:$0x3FAD] =	sst s10  }
0x38: {  	s10 =	sld [smem:$0x3FAE]  }
0x39: {  	_ = 	snop;
	(pc) =	sbr.ind lr, $3  }
0x3a: {  	_ = 	snop  }
0x3b: {  	_ = 	snop  }
0x3c: {  	p2 =	seq.s32 s10, $0x1;
	s10 =	sld [smem:$0x3FAD]  }
0x3d: {  	_ =	shalt  }
0x3e: {  	_ =	shalt  }
0x3f: {  	_ =	shalt  }
0x40: {  	_ =	shalt  }
0x41: {  	_ =	shalt  }
0x42: {  	_ =	shalt  }
0x43: {  	_ =	shalt  }
0x44: {  	_ =	shalt  }
0x45: {  	_ =	shalt  }
0x46: {  	_ =	shalt  }
0x47: {  	_ =	shalt  }
0x48: {  	_ =	shalt  }
0x49: {  	_ =	shalt  }
0x4a: {  	_ =	shalt  }
0x4b: {  	_ =	shalt  }
0x4c: {  	_ =	shalt  }
0x4d: {  	_ =	shalt  }
0x4e: {  	_ =	shalt  }
0x4f: {  	_ =	shalt  }
0x50: {  	_ =	shalt  }
0x51: {  	_ =	shalt  }
0x52: {  	_ =	shalt  }
0x53: {  	_ =	shalt  }
0x54: {  	_ =	shalt  }
0x55: {  	_ =	shalt  }
0x56: {  	_ =	shalt  }
0x57: {  	_ =	shalt  }
0x58: {  	_ =	shalt  }
0x59: {  	_ =	shalt  }
0x5a: {  	_ =	shalt  }
0x5b: {  	_ =	shalt  }
0x5c: {  	_ =	shalt  }
0x5d: {  	_ =	shalt  }
0x5e: {  	_ =	shalt  }
0x5f: {  	_ =	shalt  }
0x60: {  	_ =	shalt  }
0x61: {  	_ =	shalt  }
0x62: {  	_ =	shalt  }
0x63: {  	_ =	shalt  }
0x64: {  	_ =	shalt  }
0x65: {  	_ =	shalt  }
0x66: {  	_ =	shalt  }
0x67: {  	_ =	shalt  }
0x68: {  	_ =	shalt  }
0x69: {  	_ =	shalt  }
0x6a: {  	_ =	shalt  }
0x6b: {  	_ =	shalt  }
0x6c: {  	_ =	shalt  }
0x6d: {  	_ =	shalt  }
0x6e: {  	_ =	shalt  }
0x6f: {  	_ =	shalt  }
0x70: {  	_ =	shalt  }
0x71: {  	_ =	shalt  }
0x72: {  	_ =	shalt  }
0x73: {  	_ =	shalt  }
0x74: {  	_ =	shalt  }
0x75: {  	_ =	shalt  }
0x76: {  	_ =	shalt  }
0x77: {  	_ =	shalt  }
0x78: {  	_ =	shalt  }
0x79: {  	_ =	shalt  }
0x7a: {  	_ =	shalt  }
0x7b: {  	_ =	shalt  }
0x7c: {  	_ =	shalt  }
0x7d: {  	_ =	shalt  }
0x7e: {  	_ =	shalt  }
0x7f: {  	_ =	shalt  }
0x80: {  	_ =	shalt  }
0x81: {  	_ =	shalt  }
0x82: {  	_ =	shalt  }
0x83: {  	_ =	shalt  }
0x84: {  	_ =	shalt  }
0x85: {  	_ =	shalt  }
0x86: {  	_ =	shalt  }
0x87: {  	_ =	shalt  }
.Lfunc_end0:
.L_simem_size_0:
called_computation.1_lowered:
.L_overlay_start_0:
0x88: {  	s2 =	sld [smem:$0x3FD9]  }
0x89: {  	s3 =	sld [smem:$0x3FFE];
	_ =	sdelay $0x1  }
0x8a: {  	s1 =	srdreg.scid  }
0x8b: {  	s0 =	sand.u32 $0x1, s1  }
0x8c: {  	s14 =	sshll.u32 s0, $0xA;
	s2 =	sadd.s32 s3, s2  }
0x8d: {  	s2 =	sadd.s32 s2, s14  }
0x8e: {  	[smem:$0x3FB9] =	sst s2  }
0x8f: {  	_ = 	snop  }
0x90: {  	s2 =	sld [smem:$0x3FD0];
	_ =	sdelay $0x2  }
0x91: {  	s15 =	simm.s32 $0xA;
	s4 =	simm.s32 $0x10  }
0x92: {  	[smem:s4], [sflag:s15] =	dma.local [hbm:s2], $0x1  }
0x93: {  	_ =	swait.eq [sflag:s15], $0x1  }
0x94: {  	[sflag:s15] =	ssyncset.done $0x0  }
0x95: {  	s16 =	sld [smem:$0x11];
	[sflag:s15] =	ssyncadd.s32 $0xFFFFFFFF  }
0x96: {  	s17 =	sld [smem:$0x12];
	(tm) =	ssettm $0x1  }
0x97: {  	s18 =	sld [smem:$0x3FFB];
	_ =	sdelay $0x3  }
0x98: {  	_ =	strace s18  }
0x99: {  	s4 =	sld [smem:$0x3FFC];
	_ =	sdelay $0x3  }
0x9a: {  	_ =	strace s4  }
0x9b: {  	s4 =	sld [smem:$0x3FFD];
	_ =	sdelay $0x3  }
0x9c: {  	_ =	strace s4  }
0x9d: {  	_ =	strace $0x8FFFFFFF  }
0x9e: {  	s19 =	sld [smem:$0x3FDB];
	_ =	sdelay $0x1  }
0x9f: {  	s5 =	simm.s32 $_scs_section_size  }
0xa0: {  	s6 =	simm.s32 $_size__tile_overlayer_lowered;
	s7 =	simm.s32 $_tile_overlayer_lowered  }
0xa1: {  	s22 =	simm.s32 $0x1BFF;
	s21 =	sshll.u32 s7, $0x1;
	s4 =	sadd.s32 s5, s19  }
0xa2: {  	s8 =	simm.s32 $0x0;
	s20 =	sshll.u32 s6, $0x1;
	s6 =	sadd.s32 s21, s4  }
0xa3: {  	[timem:s8], [sflag:s22] =	dma.local [hbm:s6], s20  }
0xa4: {  	_ =	swait.ge [sflag:s22], s20  }
0xa5: {  	s5 =	ssub.s32 $0x0, s20;
	[sflag:s22] =	ssyncset.done $0x0  }
0xa6: {  	[sflag:s22] =	ssyncadd.s32 s5;
	_ =	sdelay $0x1  }
0xa7: {  	s23 =	simm.s32 $0x1B8B  }
0xa8: {  	_ =	swait.ge [sflag:s23], $0x1  }
0xa9: {  	[sflag:s23] =	ssyncset.done $0x0  }
0xaa: {  	s25 =	simm.s32 $0x1B8E;
	s24 =	sld [smem:$0x3FFE];
	[sflag:s23] =	ssyncadd.s32 $0xFFFFFFFF  }
0xab: {  	s26 =	simm.s32 $execute0_lowered;
	[smem:$0x3FD2] =	sst s25  }
0xac: {  	s6 =	sshll.u32 s26, $0x1;
	_ =	strace $0x80000046;
	[dreg:$0x1] =	wrdreg $0xFFFFFFFF  }
0xad: {  	s28 =	simm.s32 $_size_execute0_lowered;
	s4 =	sadd.s32 s4, s6;
	[dreg:$0x0] =	wrdreg $0x0  }
0xae: {  	s6 =	sshll.u32 s28, $0x1;
	[dreg:$0x2] =	wrdreg s4  }
0xaf: {  	[dreg:$0x3] =	wrdreg s6  }
0xb0: {  	[dreg:$0x4] =	wrdreg $0xC0  }
0xb1: {  	_ =	task [dreg:s8], $0x5FFFF  }
0xb2: {  	[dreg:$0x1] =	wrdreg $0xFFFFFFFF  }
0xb3: {  	[dreg:$0x0] =	wrdreg $0x60  }
0xb4: {  	[dreg:$0x2] =	wrdreg s17  }
0xb5: {  	[dreg:$0x3] =	wrdreg s16  }
0xb6: {  	[dreg:$0x4] =	wrdreg s24  }
0xb7: {  	[dreg:$0x5] =	wrdreg $0x9  }
0xb8: {  	_ =	task.clear_ibuf [dreg:s8], $0x6FFFF;
	_ =	strace $0x90000046  }
0xb9: {  	s29 =	simm.s32 $0x9;
	_ =	strace $0x80000048  }
0xba: {  	_ =	swait.ge [sflag:s29], $0x1  }
0xbb: {  	[sflag:s29] =	ssyncadd.s32 $0xFFFFFFFF  }
0xbc: {  	_ =	strace $0x90000048  }
0xbd: {  	_ =	sfence  }
0xbe: {  	s30 =	sld [smem:$0x0];
	_ =	sdelay $0x2  }
0xbf: {  	s31 =	sshll.u32 s1, $0xD;
	s1 =	sshrl.u32 s1, $0x2  }
0xc0: {  	s3 =	sand.u32 $0x4000, s31;
	s1 =	sadd.s32 s1, s30  }
0xc1: {  	s0 =	sor.u32 s3, s0;
	s1 =	sshll.u32 s1, $0x11  }
0xc2: {  	s0 =	sor.u32 s1, s0  }
0xc3: {  	s0 =	sadd.s32 $0x8F2B, s0  }
0xc4: {  	[sflag:s0] =	ssyncadd.remote.s32 $0x1  }
0xc5: {  	_ =	sfence.sel $0xFFFF  }
0xc6: {  	[dreg:$0x0] =	wrdreg $0xFFFFFFFF;
	(pc) =	sbr.abs _section_cstart, $3  }
0xc7: {  	[dreg:$0x1] =	wrdreg $0xFFFFFFFF  }
0xc8: {  	_ =	task.clear_ibuf [dreg:s8], $0x2FFFF;
	_ =	strace $0x9FFFFFFF  }
0xc9: {  	(tm) =	ssettm $0x7FFFFFFF  }
tec
execute0_lowered:
.L_overlay_start_1:
0x0: {  	(tag) =	ssettag $0x1  }
0x1: {  	s4 =	rddreg [dreg:$0x0]  }
0x2: {  	s2 =	rddreg [dreg:$0x1]  }
0x3: {  	s5 =	rddreg [dreg:$0x2]  }
0x4: {  	s1 =	stileid.u32;
	s3 =	srdreg.scid  }
0x5: {  	s0 =	rddreg [dreg:$0x3];
	s11 =	simm.s32 $0x0;
	s6 =	sand.u32 $0x1, s3  }
0x6: {  	s7 =	sshll.u32 s1, $0x1;
	s3 =	simm.s32 $0x0;
	s8 =	smul.u32 $0x7800, s1  }
0x7: {  	s7 =	sor.u32 s6, s7;
	s9 =	ssub.s32 $0x2, s6;
	s6 =	smul.u32 $0x3C00, s6  }
0x8: {  	[smem:$0x7FF] =	sst s3;
	s7 =	smul.u32 $0x1E00, s7;
	s10 =	sshrl.u32 s9, $0x1  }
0x9: {  	_ =	strace $0x80000047;
	s8 =	sadd.s32 s8, s5;
	s31 =	ssub.s32 s9, s10  }
0xa: {  	s6 =	sadd.s32 s6, s8;
	s8 =	simm.s32 $0x80;
	s9 =	simm.s32 $0x1E00  }
0xb: {  	s10 =	simm.s32 $0x1;
	s7 =	sshrl.u32 s7, $0x3;
	s5 =	smax.u32 s31, $0x1  }
0xc: {  	s6 =	sadd.s32 $0x22E00, s6;
	s4 =	sadd.s32 s4, s7;
	s7 =	simm.s32 $0x2  }
.LBB2_1:
0xd: {  	[tilespmem:s3], [sflag:$0x2] =	stream.linear.gather [hbm4b:s4+s3], $0x1E00, $0x38;
	[tilespmem:$0x2600] =	vst v63  }
0xe: {  	_ =	swait.ge [sflag:s7], $0x1E00  }
0xf: {  	[sflag:s7] =	ssyncset.done $0x0  }
0x10: {  	[sflag:s7] =	ssyncadd.s32 $0xFFFFE200  }
0x11: {  	[tilespmem:s9], [sflag:$0x1] =	stream.indirect.gather [hbm4b:s2+s8], $0x10, s3, s8, $0xb8;
	[tilespmem:$0x2600] =	vst v63  }
0x12: {  	_ =	swait.ge [sflag:s10], $0x800  }
0x13: {  	[sflag:s10] =	ssyncset.done $0x0  }
0x14: {  	s12 =	sadd.s32 $0x0, s6;
	[sflag:s10] =	ssyncadd.s32 $0xFFFFF800  }
0x15: {  	[hbm4b:s12+s3] =	stream.linear.scatter [tilespmem:s9], [sflag:$0x2], $0x800, $0x38;
	[tilespmem:$0x2600] =	vst v63  }
0x16: {  	_ =	swait.ge [sflag:s7], $0x800  }
0x17: {  	s13 =	simm.s32 $0x0;
	s12 =	simm.s32 $0x100;
	[sflag:s7] =	ssyncset.done $0x0  }
.LBB2_2:
0x18: {  	p0 =	sne.s32 s12, $0x3B00;
	[sflag:s7] =	ssyncadd.s32 $0xFFFFF800;
	s13 =	sadd.s32 $0x80, s13  }
0x19: {  	[tilespmem:s9], [sflag:$0x1] =	stream.indirect.gather [hbm4b:s2+s8], $0x10, s13, s8, $0xb8;
	[tilespmem:$0x2600] =	vst v63  }
0x1a: {  	s14 =	smov.u32 s12;
	s12 =	sadd.s32 $0x100, s12;
	_ =	swait.ge [sflag:s10], $0x800  }
.Ltmp0:
0x1b: {  	[sflag:s10] =	ssyncset.done $0x0;
	(pc) =	sbr.rel @p0 .LBB2_2-.Ltmp0, $4  }
0x1c: {  	s14 =	sadd.s32 s14, s6;
	[sflag:s10] =	ssyncadd.s32 $0xFFFFF800  }
0x1d: {  	[hbm4b:s14+s3] =	stream.linear.scatter [tilespmem:s9], [sflag:$0x2], $0x800, $0x38;
	[tilespmem:$0x2600] =	vst v63  }
0x1e: {  	_ =	swait.ge [sflag:s7], $0x800  }
0x1f: {  	[sflag:s7] =	ssyncset.done $0x0  }
0x20: {  	s11 =	sadd.s32 $0x1, s11  }
0x21: {  	p0 =	sne.s32 s11, s5  }
.Ltmp1:
0x22: {  	_ = 	snop;
	(pc) =	sbr.rel @p0 .LBB2_1-.Ltmp1, $2  }
0x23: {  	_ =	sdelay $0x2  }
0x24: {  	[sflag:s7] =	ssyncadd.s32 $0xFFFFF800  }
0x25: {  	_ =	sfence.sel $0x180000  }
0x26: {  	[bflag:$0x0] =	sbarrier.arrive $0xFFFF  }
0x27: {  	p0 =	sne.s32 s1, $0x0;
	_ =	strace $0x90000047  }
0x28: {  	s0 =	sadd.s32 @!p0 $0x100000, s0;
	[bflag:$0x2] =	sbarrier.arrive $0xFFFF  }
0x29: {  	[sflag:s0] =	ssyncadd.tile.s32 @!p0 $0x1;
	_ =	shalt  }
.Lfunc_end2:
_tile_overlayer_lowered:
.L_overlay_start_2:
0x2a: {  	(tag) =	ssettag $0x2  }
0x2b: {  	s0 =	rddreg [dreg:$0x0];
	s2 =	stileid.u32  }
0x2c: {  	s1 =	rddreg [dreg:$0x1];
	p0 =	sne.s32 s2, $0x0  }
0x2d: {  	s3 =	rddreg [dreg:$0x2];
	[bflag:$0x3] =	sbarrier.arrive $0xFFFF;
	s2 =	simm.s32 @!p0 $0x1C02  }
0x2e: {  	[timem:s3], [sflag:s2] =	dma.local @!p0 [hbm:s0], s1  }
0x2f: {  	s0 =	simm.s32 @!p0 $0x2  }
0x30: {  	_ =	swait.ge @!p0 [sflag:s0], s1  }
0x31: {  	s1 =	ssub.s32 @!p0 $0x0, s1;
	[sflag:s0] =	ssyncset.done @!p0 $0x0  }
0x32: {  	[sflag:s0] =	ssyncadd.s32 @!p0 s1  }
0x33: {  	[bflag:$0x3] =	sbarrier.arrive $0xFFFF  }
0x34: {  	_ =	shalt  }

// kernel: sparse-core-data-format-call.cloned.1.call-start
scs
called_computation_lowered:
.L_overlay_start_0:
0x0: {  	s2 =	sld [smem:$0x3FD9]  }
0x1: {  	s3 =	sld [smem:$0x3FFE];
	_ =	sdelay $0x1  }
0x2: {  	s1 =	srdreg.scid  }
0x3: {  	s0 =	sand.u32 $0x1, s1  }
0x4: {  	s15 =	sshll.u32 s0, $0xA;
	s2 =	sadd.s32 s3, s2  }
0x5: {  	s2 =	sadd.s32 s2, s15  }
0x6: {  	[smem:$0x3FB9] =	sst s2  }
0x7: {  	_ = 	snop  }
0x8: {  	s2 =	sld [smem:$0x3FD0];
	_ =	sdelay $0x2  }
0x9: {  	s16 =	simm.s32 $0xA;
	s4 =	simm.s32 $0x10  }
0xa: {  	[smem:s4], [sflag:s16] =	dma.local [hbm:s2], $0x1  }
0xb: {  	_ =	swait.eq [sflag:s16], $0x1  }
0xc: {  	[sflag:s16] =	ssyncset.done $0x0  }
0xd: {  	[sflag:s16] =	ssyncadd.s32 $0xFFFFFFFF  }
0xe: {  	s17 =	sld [smem:$0x11];
	(tm) =	ssettm $0x1  }
0xf: {  	s18 =	sld [smem:$0x3FFB];
	_ =	sdelay $0x3  }
0x10: {  	_ =	strace s18  }
0x11: {  	s3 =	sld [smem:$0x3FFC];
	_ =	sdelay $0x3  }
0x12: {  	_ =	strace s3  }
0x13: {  	s3 =	sld [smem:$0x3FFD];
	_ =	sdelay $0x3  }
0x14: {  	_ =	strace s3  }
0x15: {  	_ =	strace $0x8FFFFFFF  }
0x16: {  	s19 =	sld [smem:$0x3FDB];
	_ =	sdelay $0x1  }
0x17: {  	s20 =	simm.s32 $_scs_section_size  }
0x18: {  	s5 =	simm.s32 $_size__tile_overlayer_lowered;
	s6 =	simm.s32 $_tile_overlayer_lowered  }
0x19: {  	s23 =	simm.s32 $0x1BFF;
	s22 =	sshll.u32 s6, $0x1;
	s3 =	sadd.s32 s20, s19  }
0x1a: {  	s7 =	simm.s32 $0x0;
	s21 =	sshll.u32 s5, $0x1;
	s5 =	sadd.s32 s22, s3  }
0x1b: {  	[timem:s7], [sflag:s23] =	dma.local [hbm:s5], s21  }
0x1c: {  	_ =	swait.ge [sflag:s23], s21  }
0x1d: {  	s4 =	ssub.s32 $0x0, s21;
	[sflag:s23] =	ssyncset.done $0x0  }
0x1e: {  	[sflag:s23] =	ssyncadd.s32 s4;
	_ =	sdelay $0x1  }
0x1f: {  	s24 =	simm.s32 $0x1B8B  }
0x20: {  	_ =	swait.ge [sflag:s24], $0x1  }
0x21: {  	[sflag:s24] =	ssyncset.done $0x0  }
0x22: {  	s26 =	simm.s32 $0x1B8E;
	s25 =	sld [smem:$0x3FFE];
	[sflag:s24] =	ssyncadd.s32 $0xFFFFFFFF  }
0x23: {  	s27 =	simm.s32 $execute0_lowered;
	[smem:$0x3FD2] =	sst s26  }
0x24: {  	s5 =	sshll.u32 s27, $0x1;
	_ =	strace $0x80000049;
	[dreg:$0x1] =	wrdreg $0xFFFFFFFF  }
0x25: {  	s28 =	simm.s32 $_size_execute0_lowered;
	s3 =	sadd.s32 s3, s5;
	[dreg:$0x0] =	wrdreg $0x0  }
0x26: {  	s5 =	sshll.u32 s28, $0x1;
	[dreg:$0x2] =	wrdreg s3  }
0x27: {  	[dreg:$0x3] =	wrdreg s5  }
0x28: {  	[dreg:$0x4] =	wrdreg $0xC0  }
0x29: {  	_ =	task [dreg:s7], $0x5FFFF  }
0x2a: {  	[dreg:$0x1] =	wrdreg $0xFFFFFFFF  }
0x2b: {  	[dreg:$0x0] =	wrdreg $0x60  }
0x2c: {  	[dreg:$0x2] =	wrdreg s25  }
0x2d: {  	[dreg:$0x3] =	wrdreg s17  }
0x2e: {  	[dreg:$0x4] =	wrdreg $0x9  }
0x2f: {  	_ =	task.clear_ibuf [dreg:s7], $0x5FFFF;
	_ =	strace $0x90000049  }
0x30: {  	s29 =	simm.s32 $0x9;
	_ =	strace $0x8000004B  }
0x31: {  	_ =	swait.ge [sflag:s29], $0x1  }
0x32: {  	[sflag:s29] =	ssyncadd.s32 $0xFFFFFFFF  }
0x33: {  	_ =	strace $0x9000004B  }
0x34: {  	_ =	sfence  }
0x35: {  	s30 =	sld [smem:$0x0];
	_ =	sdelay $0x2  }
0x36: {  	s31 =	sshll.u32 s1, $0xD;
	s1 =	sshrl.u32 s1, $0x2  }
0x37: {  	s3 =	sand.u32 $0x4000, s31;
	s1 =	sadd.s32 s1, s30  }
0x38: {  	s0 =	sor.u32 s3, s0;
	s1 =	sshll.u32 s1, $0x11  }
0x39: {  	s0 =	sor.u32 s1, s0  }
0x3a: {  	s0 =	sadd.s32 $0x8F2B, s0  }
0x3b: {  	[sflag:s0] =	ssyncadd.remote.s32 $0x1  }
0x3c: {  	_ =	sfence.sel $0xFFFF  }
0x3d: {  	[dreg:$0x0] =	wrdreg $0xFFFFFFFF;
	(pc) =	sbr.abs _section_cstart, $3  }
0x3e: {  	[dreg:$0x1] =	wrdreg $0xFFFFFFFF  }
0x3f: {  	_ =	task.clear_ibuf [dreg:s7], $0x2FFFF;
	_ =	strace $0x9FFFFFFF  }
0x40: {  	(tm) =	ssettm $0x7FFFFFFF  }
0x41: {  	_ =	shalt  }
tec
execute0_lowered:
.L_overlay_start_1:
0x0: {  	(tag) =	ssettag $0x1  }
0x1: {  	s0 =	srdreg.scid  }
0x2: {  	s1 =	sshll.u32 s0, $0x4  }
0x3: {  	s0 =	stileid.u32;
	s1 =	sand.u32 $0x10, s1  }
0x4: {  	s6 =	rddreg [dreg:$0x0];
	s1 =	sor.u32 s0, s1  }
0x5: {  	s4 =	simm.s32 $0x1;
	s7 =	simm.s32 $0x2;
	s2 =	sshll.u32 s1, $0x4  }
0x6: {  	s14 =	simm.s32 $0x0;
	s8 =	simm.s32 $0x800;
	s1 =	ssub.s32 $0x400, s2  }
0x7: {  	s9 =	simm.s32 $0x3C0000;
	s10 =	simm.s32 $0x0;
	s3 =	sand.u32 $0x1F0, s1  }
0x8: {  	s15 =	simm.s32 $0x0;
	s5 =	sshrl.u32 s1, $0x9;
	p0 =	sne.s32 s3, $0x0  }
.Ltmp0:
0x9: {  	s1 =	rddreg [dreg:$0x2];
	s4 =	simm.s32 @!p0 $0x0;
	(pc) =	sbr.rel .LBB1_1-.Ltmp0, $4  }
0xa: {  	s11 =	simm.s32 $0x0;
	s3 =	rddreg [dreg:$0x1];
	s5 =	sadd.s32 s4, s5  }
0xb: {  	_ =	strace $0x8000004A;
	s4 =	simm.s32 $0x1;
	s5 =	smul.u32 $0x1E, s5  }
0xc: {  	s13 =	simm.s32 $0x0;
	s6 =	sadd.s32 $0x3E2E00, s6;
	[sflag:s4] =	ssyncpa.u1 $0x0  }
0xd: {  	s12 =	smov.u32 s2;
	[sflag:s7] =	ssyncpa.u1 $0x0;
	s7 =	sor.u32 $0x1, s5  }
.LBB1_7:
0xe: {  	s16 =	sadd.s32 $0x1, s11  }
0xf: {  	s14 =	sadd.s32 $0x200, s12;
	s18 =	smov.u32 s12;
	p1 =	sgt.s32 s16, $0x1D  }
0x10: {  	s18 =	smov.u32 @p1 s14  }
0x11: {  	s16 =	simm.s32 @p1 $0x0;
	p1 =	sgt.s32 s18, $0x3FF  }
0x12: {  	s18 =	smov.u32 @p1 s2;
	p1 =	sne.s32 s13, s7  }
.Ltmp1:
0x13: {  	p0 =	slt.u32 s13, $0x2;
	(pc) =	sbr.rel @!p1 .LBB1_8-.Ltmp1, $4  }
0x14: {  	s17 =	simm.s32 @!p0 $0x2  }
0x15: {  	s15 =	smov.u32 s12;
	s10 =	sadd.s32 $0x4000, s10;
	_ =	swait.ge @!p0 [sflag:s17], $0x4000  }
0x16: {  	s14 =	smov.u32 s11;
	[sflag:s17] =	ssyncset.done @!p0 $0x0;
	s11 =	smov.u32 s16  }
0x17: {  	s13 =	sadd.s32 $0x1, s13;
	[sflag:s17] =	ssyncadd.s32 @!p0 $0xFFFFC000;
	s12 =	smov.u32 s18  }
.LBB1_1:
0x18: {  	p0 =	sge.u32 s13, s5  }
0x19: {  	s17 =	smul.u32 @!p0 $0xF00, s12  }
0x1a: {  	s31 =	sadd.s32 $0xFFFFFFFF, s13;
	s16 =	sxor.u32 @!p0 $0xFFFFFFFF, s13;
	s18 =	sshll.u32 @!p0 s11, $0x7  }
0x1b: {  	s19 =	simm.s32 @!p0 $0x7800;
	s16 =	sshll.u32 @!p0 s16, $0xE;
	s17 =	sadd.s32 @!p0 s6, s17  }
0x1c: {  	s16 =	sand.u32 @!p0 $0x4000, s16;
	s17 =	sadd.s32 @!p0 s18, s17;
	s18 =	simm.s32 @!p0 $0x400  }
0x1d: {  	[tilespmem:s16], [sflag:$0x1] =	stream.strided.gather @!p0 [hbm4b:s17+s18], $0x4000, s19, s18, $0x38;
	[tilespmem:$0x10000] =	vst v63  }
0x1e: {  	p0 =	sge.u32 s31, s5  }
.Ltmp2:
0x1f: {  	_ = 	snop;
	(pc) =	sbr.rel @p0 .LBB1_7-.Ltmp2, $1  }
0x20: {  	_ =	sdelay $0x3  }
0x21: {  	s17 =	sand.u32 $0x4000, s10  }
0x22: {  	_ =	swait.ge [sflag:s4], $0x4000;
	s19 =	sshll.u32 s13, $0xE;
	s16 =	sor.u32 $0x8040, s17  }
0x23: {  	s18 =	sor.u32 $0x40, s17;
	[sflag:s4] =	ssyncset.done $0x0;
	s31 =	sand.u32 $0x4000, s19  }
0x24: {  	s19 =	simm.s32 $0x0;
	[sflag:s4] =	ssyncadd.s32 $0xFFFFC000;
	s17 =	sor.u32 $0x8000, s31  }
.LBB1_3:
0x25: {  	v0 =	vmov s18;
	_ =	sdelay $0x3  }
0x26: {  	s21 =	simm.s32 $0x0  }
0x27: {  	v6 =	vld.idx.msk [tilespmem:v0+s21+$0x30 ss:$0x1], $0xffff  }
0x28: {  	v7 =	vld.idx.msk [tilespmem:v0+s21+$0xFFFFFFC0 ss:$0x1], $0xffff  }
0x29: {  	v5 =	vld.idx.msk [tilespmem:v0+s21+$0xFFFFFFD0 ss:$0x1], $0xffff  }
0x2a: {  	v4 =	vld.idx.msk [tilespmem:v0+s21+$0xFFFFFFE0 ss:$0x1], $0xffff  }
0x2b: {  	v3 =	vld.idx.msk [tilespmem:v0+s21+$0xFFFFFFF0 ss:$0x1], $0xffff  }
0x2c: {  	v1 =	vld.idx.msk [tilespmem:v0+s21+$0x0 ss:$0x1], $0xffff  }
0x2d: {  	v2 =	vld.idx.msk [tilespmem:v0+s21+$0x10 ss:$0x1], $0xffff;
	[tilespmem:s16+$0x30] =	vst v6  }
0x2e: {  	s20 =	simm.s32 $0x80;
	s22 =	simm.s32 $0x400;
	[tilespmem:s16+$0xFFFFFFC0] =	vst v7;
	v6 =	vld.idx.msk [tilespmem:v0+s21+$0x20 ss:$0x1], $0xffff;
	s21 =	smov.u32 s16  }
.LBB1_4:
0x2f: {  	p0 =	sne.s32 s22, $0xE00;
	v7 =	vld.idx.msk [tilespmem:v0+s20+$0x30 ss:$0x1], $0xffff;
	[tilespmem:s21+$0xFFFFFFD0] =	vst v5  }
0x30: {  	v8 =	vld.idx.msk [tilespmem:v0+s20+$0xFFFFFFC0 ss:$0x1], $0xffff;
	[tilespmem:s21+$0xFFFFFFE0] =	vst v4  }
0x31: {  	v5 =	vld.idx.msk [tilespmem:v0+s20+$0xFFFFFFD0 ss:$0x1], $0xffff;
	[tilespmem:s21+$0xFFFFFFF0] =	vst v3  }
.Ltmp3:
0x32: {  	v4 =	vld.idx.msk [tilespmem:v0+s20+$0xFFFFFFE0 ss:$0x1], $0xffff;
	[tilespmem:s21+$0x0] =	vst v1;
	(pc) =	sbr.rel @p0 .LBB1_4-.Ltmp3, $4  }
0x33: {  	v3 =	vld.idx.msk [tilespmem:v0+s20+$0xFFFFFFF0 ss:$0x1], $0xffff;
	[tilespmem:s21+$0x10] =	vst v2  }
0x34: {  	v1 =	vld.idx.msk [tilespmem:v0+s20+$0x0 ss:$0x1], $0xffff;
	[tilespmem:s21+$0x20] =	vst v6;
	s21 =	sadd.s32 $0x800, s21  }
0x35: {  	v2 =	vld.idx.msk [tilespmem:v0+s20+$0x10 ss:$0x1], $0xffff;
	[tilespmem:s21+$0x30] =	vst v7  }
0x36: {  	[tilespmem:s21+$0xFFFFFFC0] =	vst v8;
	v6 =	vld.idx.msk [tilespmem:v0+s20+$0x20 ss:$0x1], $0xffff;
	s20 =	sshra.s32 s22, $0x2;
	s22 =	sadd.s32 $0x200, s22  }
0x37: {  	_ =	sdelay $0x2  }
0x38: {  	[tilespmem:s21+$0xFFFFFFD0] =	vst v5  }
0x39: {  	v56 =	vld.idx.msk [tilespmem:v0+s20+$0x30 ss:$0x1], $0xffff;
	[tilespmem:s21+$0xFFFFFFE0] =	vst v4  }
0x3a: {  	v57 =	vld.idx.msk [tilespmem:v0+s20+$0xFFFFFFC0 ss:$0x1], $0xffff;
	[tilespmem:s21+$0xFFFFFFF0] =	vst v3  }
0x3b: {  	v58 =	vld.idx.msk [tilespmem:v0+s20+$0xFFFFFFD0 ss:$0x1], $0xffff;
	[tilespmem:s21+$0x0] =	vst v1  }
0x3c: {  	v59 =	vld.idx.msk [tilespmem:v0+s20+$0xFFFFFFE0 ss:$0x1], $0xffff;
	[tilespmem:s21+$0x10] =	vst v2  }
0x3d: {  	v60 =	vld.idx.msk [tilespmem:v0+s20+$0xFFFFFFF0 ss:$0x1], $0xffff;
	s31 =	sadd.s32 $0x800, s21;
	[tilespmem:s21+$0x20] =	vst v6  }
0x3e: {  	v61 =	vld.idx.msk [tilespmem:v0+s20+$0x0 ss:$0x1], $0xffff;
	[tilespmem:s31+$0x30] =	vst v56  }
0x3f: {  	v62 =	vld.idx.msk [tilespmem:v0+s20+$0x10 ss:$0x1], $0xffff;
	s19 =	sadd.s32 $0x1, s19;
	[tilespmem:s31+$0xFFFFFFC0] =	vst v57  }
0x40: {  	v63 =	vld.idx.msk [tilespmem:v0+s20+$0x20 ss:$0x1], $0xffff;
	p0 =	sne.s32 s19, $0x10;
	[tilespmem:s31+$0xFFFFFFD0] =	vst v58  }
.Ltmp4:
0x41: {  	[tilespmem:s31+$0xFFFFFFE0] =	vst v59;
	(pc) =	sbr.rel @p0 .LBB1_3-.Ltmp4, $4  }
0x42: {  	[tilespmem:s31+$0xFFFFFFF0] =	vst v60  }
0x43: {  	[tilespmem:s31+$0x0] =	vst v61  }
0x44: {  	[tilespmem:s31+$0x10] =	vst v62  }
0x45: {  	s16 =	sadd.s32 $0x80, s16;
	s18 =	sadd.s32 $0x400, s18;
	[tilespmem:s31+$0x20] =	vst v63  }
.Ltmp5:
0x46: {  	s15 =	sshll.u32 s15, $0x4;
	(pc) =	sbr.rel .LBB1_7-.Ltmp5, $4  }
0x47: {  	s15 =	sand.u32 $0x3FF0, s15  }
0x48: {  	s14 =	sshll.u32 s14, $0xE;
	s15 =	sadd.s32 s3, s15  }
0x49: {  	s14 =	sadd.s32 s14, s15  }
0x4a: {  	[hbm4b:s14+s8] =	stream.strided.scatter [tilespmem:s17], [sflag:$0x2], $0x4000, s9, s8, $0x38;
	[tilespmem:$0x10000] =	vst v63  }
.LBB1_8:
0x4b: {  	_ =	sfence.sel $0x180000  }
0x4c: {  	s2 =	simm.s32 $0x1;
	[bflag:$0x0] =	sbarrier.arrive $0xFFFF  }
0x4d: {  	s31 =	simm.s32 $0x2;
	[sflag:s2] =	ssyncpa.u1 $0x1  }
0x4e: {  	[sflag:s31] =	ssyncpa.u1 $0x1  }
0x4f: {  	p0 =	sne.s32 s0, $0x0;
	_ =	strace $0x9000004A  }
0x50: {  	s0 =	sadd.s32 @!p0 $0x100000, s1;
	[bflag:$0x2] =	sbarrier.arrive $0xFFFF  }
0x51: {  	[sflag:s0] =	ssyncadd.tile.s32 @!p0 $0x1;
	_ =	shalt  }
.Lfunc_end1:
_tile_overlayer_lowered:
.L_overlay_start_2:
0x52: {  	(tag) =	ssettag $0x2  }
0x53: {  	s0 =	rddreg [dreg:$0x0];
	s2 =	stileid.u32  }
0x54: {  	s1 =	rddreg [dreg:$0x1];
	p0 =	sne.s32 s2, $0x0  }
0x55: {  	s3 =	rddreg [dreg:$0x2];
	[bflag:$0x3] =	sbarrier.arrive $0xFFFF;
	s2 =	simm.s32 @!p0 $0x1C01  }
0x56: {  	[timem:s3], [sflag:s2] =	dma.local @!p0 [hbm:s0], s1  }
0x57: {  	s0 =	simm.s32 @!p0 $0x1  }
0x58: {  	_ =	swait.ge @!p0 [sflag:s0], s1  }
0x59: {  	s1 =	ssub.s32 @!p0 $0x0, s1;
	[sflag:s0] =	ssyncset.done @!p0 $0x0  }
0x5a: {  	[sflag:s0] =	ssyncadd.s32 @!p0 s1  }
0x5b: {  	[bflag:$0x3] =	sbarrier.arrive $0xFFFF  }
0x5c: {  	_ =	shalt  }

</sc_bundles>
